<compile_context>
chip_gen: v7x
topology: tpu7x:2x2x1
jax: 0.10.2.dev20260603
libtpu: 0.0.44.dev20260713+nightly
codegen_flags: <defaults>
</compile_context>

<pallas_src>
import functools

import jax
import jax.numpy as jnp
from jax import lax
from jax.experimental import pallas as pl
from jax.experimental.pallas import tpu as pltpu
from jax.experimental.pallas import tpu_sc as plsc

N = 3_200_000
G = 4096
TEMP = 0.07
INV_TEMP = float(1.0 / TEMP)
W_INF = 1.0
W_BCE = 0.5

NC = 2
NS = 16
NW = NC * NS
CHUNK = N // NW
SUB = 20000
NSUB = CHUNK // SUB
NV = SUB // 16

ACC_R, ACC_C = 10, 2048

_LOG1P_C = (
    0.9999999705406564, -0.499995015167874, 0.333192713425025,
    -0.24844369892463897, 0.19111431080531266, -0.13674769705378478,
    0.07836166801651114, -0.029588507391321184, 0.005253457796589797,
)

_mesh = plsc.VectorSubcoreMesh(core_axis_name="c", subcore_axis_name="s")


def _worker_id():
    return lax.axis_index("s") * NC + lax.axis_index("c")


def _max_body(x_ref, out_ref):
    out_ref[0, 0] = jnp.max(x_ref[...])


@functools.partial(
    pl.kernel,
    mesh=_mesh,
    out_type=jax.ShapeDtypeStruct((NW, ACC_R * ACC_C), jnp.float32),
    scratch_types=[
        pltpu.VMEM((SUB,), jnp.float32),
        pltpu.VMEM((SUB,), jnp.float32),
        pltpu.VMEM((SUB,), jnp.int32),
        pltpu.VMEM((ACC_R * ACC_C,), jnp.float32),
        pltpu.VMEM((16,), jnp.float32),
    ],
    compiler_params=pltpu.CompilerParams(needs_layout_passes=False),
)
def _sum_pass(logits_hbm, targets_hbm, edges_hbm, gmax_hbm, out_hbm,
              lbuf, tbuf, ebuf, acc, gbuf):
    wid = _worker_id()
    base = wid * CHUNK

    z = jnp.zeros((16,), jnp.float32)

    def zero_body(c, _):
        acc[pl.ds(c * 16, 16)] = z
        return 0

    lax.fori_loop(0, (ACC_R * ACC_C) // 16, zero_body, 0)

    pltpu.sync_copy(gmax_hbm, gbuf)
    gmax = gbuf[...]

    ones = jnp.ones((16,), jnp.float32)
    zf = jnp.zeros((16,), jnp.float32)

    def flush(cur_f, a0, a1, a2, a3, a4):
        cur = cur_f.astype(jnp.int32)
        plsc.addupdate_scatter(acc, [cur], a0)
        plsc.addupdate_scatter(acc, [cur + G], a1)
        plsc.addupdate_scatter(acc, [cur + 2 * G], a2)
        plsc.addupdate_scatter(acc, [cur + 3 * G], a3)
        plsc.addupdate_scatter(acc, [cur + 4 * G], a4)

    c15 = jnp.full((16, 1), 15, jnp.int32)
    _dnums = lax.GatherDimensionNumbers(
        offset_dims=(), collapsed_slice_dims=(0,), start_index_map=(0,))

    def _splat_last(x):
        return lax.gather(x, c15, _dnums, (1,),
                          mode=lax.GatherScatterMode.PROMISE_IN_BOUNDS)

    def outer(j, carry):
        off = base + j * SUB
        pltpu.sync_copy(logits_hbm.at[pl.ds(off, SUB)], lbuf)
        pltpu.sync_copy(targets_hbm.at[pl.ds(off, SUB)], tbuf)
        pltpu.sync_copy(edges_hbm.at[pl.ds(off, SUB)], ebuf)

        zero = jnp.float32(0.0)

        def compute(i):
            sl = pl.ds(i * 16, 16)
            l = lbuf[sl]
            t = tbuf[sl]
            seg = jnp.minimum(ebuf[sl], G - 1)
            seg_f = seg.astype(jnp.float32)
            s = l * jnp.float32(INV_TEMP)
            e_all = jnp.exp(s - gmax)
            pos = t > jnp.float32(0.5)
            e_pos = jnp.where(pos, e_all, zero)
            posf = jnp.where(pos, jnp.float32(1.0), zero)
            u = jnp.exp(-jnp.abs(l))
            p = jnp.float32(_LOG1P_C[-1])
            for c in _LOG1P_C[-2::-1]:
                p = p * u + jnp.float32(c)
            bce = jnp.maximum(l, jnp.float32(0.0)) - l * t + u * p
            return seg, seg_f, (e_all, e_pos, posf, ones, bce)

        UNROLL = 5

        def inner(i, carry):
            cur_f, *accs = carry
            datas = [compute(UNROLL * i + k) for k in range(UNROLL)]
            cur_new = _splat_last(datas[-1][1])
            chg = cur_new != cur_f
            cur_i = cur_f.astype(jnp.int32)
            aq1s = list(accs)
            news = [zf] * 5
            for seg, seg_f, vals in datas:
                m_prev = seg_f == cur_f
                m_new = seg_f == cur_new
                mid = (~m_prev) & (~m_new)
                for q in range(5):
                    aq1s[q] = aq1s[q] + jnp.where(m_prev, vals[q], zero)
                    news[q] = news[q] + jnp.where(m_new, vals[q], zero)
                    plsc.addupdate_scatter(acc, [seg + q * G], vals[q], mask=mid)
            outs = []
            for q in range(5):
                plsc.addupdate_scatter(acc, [cur_i + q * G], aq1s[q], mask=chg)
                outs.append(jnp.where(chg, news[q], aq1s[q]))
            return (cur_new, *outs)

        return lax.fori_loop(0, NV // UNROLL, inner, carry)

    cur0 = jnp.zeros((16,), jnp.float32)
    carry = lax.fori_loop(0, NSUB, outer, (cur0, zf, zf, zf, zf, zf))
    flush(*carry)
    pltpu.sync_copy(acc, out_hbm.at[wid])


def _finish_body(parts_ref, out_ref):
    p = jnp.sum(parts_ref[...], axis=0)
    sum_all = p[0:2]
    sum_pos = p[2:4]
    pos_counts = p[4:6]
    edge_counts = p[6:8]
    bce_sums = p[8:10]
    valid = (pos_counts > 0) & (edge_counts - pos_counts > 0)
    diff = jnp.where(valid, jnp.log(sum_all) - jnp.log(sum_pos), 0.0)
    n_valid = jnp.maximum(jnp.sum(valid.astype(jnp.float32)), 1.0)
    loss_inf = jnp.sum(diff) / n_valid
    valid_b = edge_counts > 0
    per_graph = jnp.where(valid_b, bce_sums / jnp.maximum(edge_counts, 1.0), 0.0)
    n_valid_b = jnp.maximum(jnp.sum(valid_b.astype(jnp.float32)), 1.0)
    loss_bce = jnp.sum(per_graph) / n_valid_b
    out_ref[0, 0] = W_INF * loss_inf + W_BCE * loss_bce


def kernel(logits, targets, edge_batch, num_graphs):
    del num_graphs
    logits = logits.reshape(-1).astype(jnp.float32)
    targets = targets.reshape(-1).astype(jnp.float32)
    edge_batch = edge_batch.reshape(-1).astype(jnp.int32)
    lmax = pl.pallas_call(
        _max_body,
        out_shape=jax.ShapeDtypeStruct((1, 1), jnp.float32),
        out_specs=pl.BlockSpec(memory_space=pltpu.SMEM),
    )(logits.reshape(1000, 3200))
    gmax = jnp.full((16,), lmax[0, 0] * jnp.float32(INV_TEMP), jnp.float32)
    parts = _sum_pass(logits, targets, edge_batch, gmax)
    parts = parts.reshape(NW, ACC_R, ACC_C)
    out = pl.pallas_call(
        _finish_body,
        out_shape=jax.ShapeDtypeStruct((1, 1), jnp.float32),
        out_specs=pl.BlockSpec(memory_space=pltpu.SMEM),
    )(parts)
    return out[0, 0]

# --- scband reference (transcript-rebuilt; emitter-appended) ---
"""Pipeline reference for scband-retriever-loss-84859963835098 (READ-ONLY COPY).

The authoritative reference and input builder live on the scoring server;
editing this copy changes nothing except your own understanding.
"""

import jax, jax.numpy as jnp
import numpy as np

N = 3200000
G = 4096
TEMP = 0.07
W_INF = 1.0
W_BCE = 0.5


def setup_inputs(seed: int = 0) -> dict:
    key = jax.random.key(seed)
    k1, k2, k3 = jax.random.split(key, 3)
    logits = jax.random.normal(k1, (N,), dtype=jnp.float32)
    targets = jax.random.uniform(k2, (N,), dtype=jnp.float32)
    edge_batch = jnp.sort(jax.random.randint(k3, (N,), 0, G, dtype=jnp.int32))
    return {"logits": logits, "targets": targets, "edge_batch": edge_batch, "num_graphs": G}


def _loss(logits, targets, edge_batch, num_graphs):
    logits = logits.reshape(-1)
    targets = targets.reshape(-1).astype(jnp.float32)
    edge_batch = edge_batch.reshape(-1)
    edge_batch = jnp.minimum(edge_batch, jnp.asarray(num_graphs, dtype=edge_batch.dtype) - 1)
    num_segments = G
    # ---- multi-positive InfoNCE over per-graph segments ----
    scores = logits / TEMP
    pos_mask = targets > 0.5
    max_all = jax.ops.segment_max(scores, edge_batch, num_segments=num_segments)
    scores_pos = jnp.where(pos_mask, scores, -jnp.inf)
    max_pos = jax.ops.segment_max(scores_pos, edge_batch, num_segments=num_segments)
    exp_all = jnp.exp(scores - max_all[edge_batch])
    sum_all = jax.ops.segment_sum(exp_all, edge_batch, num_segments=num_segments)
    shift = jnp.where(pos_mask, max_pos[edge_batch], 0.0)
    exp_pos = jnp.where(pos_mask, jnp.exp(scores - shift), 0.0)
    sum_pos = jax.ops.segment_sum(exp_pos, edge_batch, num_segments=num_segments)
    lse_all = max_all + jnp.log(jnp.clip(sum_all, 1e-12, None))
    lse_pos = max_pos + jnp.log(jnp.clip(sum_pos, 1e-12, None))
    posf = pos_mask.astype(jnp.float32)
    pos_counts = jax.ops.segment_sum(posf, edge_batch, num_segments=num_segments)
    edge_counts = jax.ops.segment_sum(jnp.ones_like(scores), edge_batch, num_segments=num_segments)
    neg_counts = edge_counts - pos_counts
    valid = (pos_counts > 0) & (neg_counts > 0)
    diff = jnp.where(valid, lse_all - lse_pos, 0.0)
    n_valid = jnp.maximum(jnp.sum(valid.astype(jnp.float32)), 1.0)
    loss_infonce = jnp.sum(diff) / n_valid
    # ---- per-graph mean BCE-with-logits ----
    per_edge = jnp.maximum(logits, 0.0) - logits * targets + jnp.log1p(jnp.exp(-jnp.abs(logits)))
    loss_sum = jax.ops.segment_sum(per_edge, edge_batch, num_segments=num_segments)
    valid_b = edge_counts > 0
    per_graph = jnp.where(valid_b, loss_sum / jnp.maximum(edge_counts, 1.0), 0.0)
    n_valid_b = jnp.maximum(jnp.sum(valid_b.astype(jnp.float32)), 1.0)
    loss_bce = jnp.sum(per_graph) / n_valid_b
    return W_INF * loss_infonce + W_BCE * loss_bce


def reference(logits, targets, edge_batch, num_graphs):
    return _loss(logits, targets, edge_batch, num_graphs)

if __name__ == "__main__":
    import jax
    _d = setup_inputs()
    print(jax.jit(kernel)(*tuple(_d.values())))

</pallas_src>

<mosaic_0001>
#map = affine_map<(d0, d1) -> (0)>
#map1 = affine_map<(d0, d1) -> (0, 0)>
module attributes {stable_mosaic.version = 14 : i64} {
  func.func @_sum_pass(%arg0: i32, %arg1: i32, %arg2: memref<3200000xf32, #tpu.memory_space<hbm>>, %arg3: memref<3200000xf32, #tpu.memory_space<hbm>>, %arg4: memref<3200000xi32, #tpu.memory_space<hbm>>, %arg5: memref<16xf32, #tpu.memory_space<hbm>>, %arg6: memref<32x20480xf32, #tpu.memory_space<hbm>>, %arg7: memref<20000xf32, #tpu.memory_space<vmem>>, %arg8: memref<20000xf32, #tpu.memory_space<vmem>>, %arg9: memref<20000xi32, #tpu.memory_space<vmem>>, %arg10: memref<20480xf32, #tpu.memory_space<vmem>>, %arg11: memref<16xf32, #tpu.memory_space<vmem>>) attributes {dimension_semantics = [#tpu.dimension_semantics<core_parallel>, #tpu.dimension_semantics<subcore_parallel>], iteration_bounds = array<i64: 2, 16>, scalar_prefetch = 0 : i64, scratch_operands = 5 : i64, tpu.core_type = #tpu.core_type<sc_vector_subcore>, window_params = [{transform_indices = #map}, {transform_indices = #map}, {transform_indices = #map}, {transform_indices = #map}, {transform_indices = #map1}]} {
    %mul3A = arith.constant 2 : i32
    %mul3A_0 = arith.muli %arg1, %mul3A : i32
    %add3A = arith.addi %mul3A_0, %arg0 : i32
    %mul3A_1 = arith.constant 100000 : i32
    %mul3A_2 = arith.muli %add3A, %mul3A_1 : i32
    %broadcast_in_dim3A = arith.constant 0.000000e+00 : f32
    %broadcast_in_dim3A_3 = vector.broadcast %broadcast_in_dim3A : f32 to vector<16xf32>
    %scan3A = arith.constant 0 : i32
    %scan3A_4 = arith.constant 0 : i32
    %scan3A_5 = arith.constant 1280 : i32
    %scan3A_6 = arith.addi %scan3A_4, %scan3A_5 : i32
    %scan3A_7 = arith.constant 1 : i32
    %scan3A_8 = scf.for %scan3A_37 = %scan3A_4 to %scan3A_6 step %scan3A_7 iter_args(%scan3A_38 = %scan3A) -> (i32)  : i32 {
      %mul3A_39 = arith.constant 16 : i32
      %mul3A_40 = arith.muli %scan3A_37, %mul3A_39 : i32
      %swap3A = arith.index_cast %mul3A_40 : i32 to index
      %swap3A_41 = tpu.vector_load %arg10[%swap3A] {strides = array<i32>} : memref<20480xf32, #tpu.memory_space<vmem>>, vector<16xf32>,
      tpu.vector_store %arg10[%swap3A], %broadcast_in_dim3A_3 {strides = array<i32>} : memref<20480xf32, #tpu.memory_space<vmem>>, vector<16xf32>,
      %scan3A_42 = arith.constant 0 : i32
      scf.yield %scan3A_42 : i32
    }
    %scan3A_9 = arith.constant 1280 : i32
    "tpu.region"() ({
      %run_scoped3A = tpu.sem_alloc : memref<!tpu.dma_semaphore, #tpu.memory_space<semaphore_mem>>
      tpu.enqueue_dma source(%arg5 : memref<16xf32, #tpu.memory_space<hbm>>) target(%arg11 : memref<16xf32, #tpu.memory_space<vmem>>) target_semaphore(%run_scoped3A : memref<!tpu.dma_semaphore, #tpu.memory_space<semaphore_mem>>)
      tpu.wait_dma2 semaphore(%run_scoped3A : memref<!tpu.dma_semaphore, #tpu.memory_space<semaphore_mem>>) src(%arg5 : memref<16xf32, #tpu.memory_space<hbm>>) dst(%arg11 : memref<16xf32, #tpu.memory_space<vmem>>)
      tpu.yield
    }) : () -> ()
    %get3A = arith.constant 0 : index
    %get3A_10 = tpu.vector_load %arg11[%get3A] {strides = array<i32>} : memref<16xf32, #tpu.memory_space<vmem>>, vector<16xf32>,
    %broadcast_in_dim3A_11 = arith.constant 1.000000e+00 : f32
    %broadcast_in_dim3A_12 = vector.broadcast %broadcast_in_dim3A_11 : f32 to vector<16xf32>
    %broadcast_in_dim3A_13 = arith.constant 0.000000e+00 : f32
    %broadcast_in_dim3A_14 = vector.broadcast %broadcast_in_dim3A_13 : f32 to vector<16xf32>
    %broadcast_in_dim3A_15 = arith.constant 15 : i32
    %broadcast_in_dim3A_16 = vector.broadcast %broadcast_in_dim3A_15 : i32 to vector<16x1xi32>
    %broadcast_in_dim3A_17 = arith.constant 0.000000e+00 : f32
    %broadcast_in_dim3A_18 = vector.broadcast %broadcast_in_dim3A_17 : f32 to vector<16xf32>
    %scan3A_19 = arith.constant 0 : i32
    %scan3A_20 = arith.constant 5 : i32
    %scan3A_21 = arith.addi %scan3A_19, %scan3A_20 : i32
    %scan3A_22 = arith.constant 1 : i32
    %scan3A_23:6 = scf.for %scan3A_37 = %scan3A_19 to %scan3A_21 step %scan3A_22 iter_args(%scan3A_38 = %broadcast_in_dim3A_18, %scan3A_39 = %broadcast_in_dim3A_14, %scan3A_40 = %broadcast_in_dim3A_14, %scan3A_41 = %broadcast_in_dim3A_14, %scan3A_42 = %broadcast_in_dim3A_14, %scan3A_43 = %broadcast_in_dim3A_14) -> (vector<16xf32>, vector<16xf32>, vector<16xf32>, vector<16xf32>, vector<16xf32>, vector<16xf32>)  : i32 {
      %mul3A_44 = arith.constant 20000 : i32
      %mul3A_45 = arith.muli %scan3A_37, %mul3A_44 : i32
      %add3A_46 = arith.addi %mul3A_2, %mul3A_45 : i32
      "tpu.region"() ({
        %run_scoped3A = tpu.sem_alloc : memref<!tpu.dma_semaphore, #tpu.memory_space<semaphore_mem>>
        %dma_start3A = tpu.memref_slice %arg2[%add3A_46] : memref<3200000xf32, #tpu.memory_space<hbm>> -> memref<20000xf32, #tpu.memory_space<hbm>>
        %dma_start3A_54 = tpu.memref_slice %arg2[%add3A_46] : memref<3200000xf32, #tpu.memory_space<hbm>> -> memref<20000xf32, #tpu.memory_space<hbm>>
        tpu.enqueue_dma source(%dma_start3A_54 : memref<20000xf32, #tpu.memory_space<hbm>>) target(%arg7 : memref<20000xf32, #tpu.memory_space<vmem>>) target_semaphore(%run_scoped3A : memref<!tpu.dma_semaphore, #tpu.memory_space<semaphore_mem>>)
        %dma_wait3A = tpu.memref_slice %arg2[%add3A_46] : memref<3200000xf32, #tpu.memory_space<hbm>> -> memref<20000xf32, #tpu.memory_space<hbm>>
        %dma_wait3A_55 = tpu.memref_slice %arg2[%add3A_46] : memref<3200000xf32, #tpu.memory_space<hbm>> -> memref<20000xf32, #tpu.memory_space<hbm>>
        tpu.wait_dma2 semaphore(%run_scoped3A : memref<!tpu.dma_semaphore, #tpu.memory_space<semaphore_mem>>) src(%dma_wait3A_55 : memref<20000xf32, #tpu.memory_space<hbm>>) dst(%arg7 : memref<20000xf32, #tpu.memory_space<vmem>>)
        tpu.yield
      }) : () -> ()
      "tpu.region"() ({
        %run_scoped3A = tpu.sem_alloc : memref<!tpu.dma_semaphore, #tpu.memory_space<semaphore_mem>>
        %dma_start3A = tpu.memref_slice %arg3[%add3A_46] : memref<3200000xf32, #tpu.memory_space<hbm>> -> memref<20000xf32, #tpu.memory_space<hbm>>
        %dma_start3A_54 = tpu.memref_slice %arg3[%add3A_46] : memref<3200000xf32, #tpu.memory_space<hbm>> -> memref<20000xf32, #tpu.memory_space<hbm>>
        tpu.enqueue_dma source(%dma_start3A_54 : memref<20000xf32, #tpu.memory_space<hbm>>) target(%arg8 : memref<20000xf32, #tpu.memory_space<vmem>>) target_semaphore(%run_scoped3A : memref<!tpu.dma_semaphore, #tpu.memory_space<semaphore_mem>>)
        %dma_wait3A = tpu.memref_slice %arg3[%add3A_46] : memref<3200000xf32, #tpu.memory_space<hbm>> -> memref<20000xf32, #tpu.memory_space<hbm>>
        %dma_wait3A_55 = tpu.memref_slice %arg3[%add3A_46] : memref<3200000xf32, #tpu.memory_space<hbm>> -> memref<20000xf32, #tpu.memory_space<hbm>>
        tpu.wait_dma2 semaphore(%run_scoped3A : memref<!tpu.dma_semaphore, #tpu.memory_space<semaphore_mem>>) src(%dma_wait3A_55 : memref<20000xf32, #tpu.memory_space<hbm>>) dst(%arg8 : memref<20000xf32, #tpu.memory_space<vmem>>)
        tpu.yield
      }) : () -> ()
      "tpu.region"() ({
        %run_scoped3A = tpu.sem_alloc : memref<!tpu.dma_semaphore, #tpu.memory_space<semaphore_mem>>
        %dma_start3A = tpu.memref_slice %arg4[%add3A_46] : memref<3200000xi32, #tpu.memory_space<hbm>> -> memref<20000xi32, #tpu.memory_space<hbm>>
        %dma_start3A_54 = tpu.memref_slice %arg4[%add3A_46] : memref<3200000xi32, #tpu.memory_space<hbm>> -> memref<20000xi32, #tpu.memory_space<hbm>>
        tpu.enqueue_dma source(%dma_start3A_54 : memref<20000xi32, #tpu.memory_space<hbm>>) target(%arg9 : memref<20000xi32, #tpu.memory_space<vmem>>) target_semaphore(%run_scoped3A : memref<!tpu.dma_semaphore, #tpu.memory_space<semaphore_mem>>)
        %dma_wait3A = tpu.memref_slice %arg4[%add3A_46] : memref<3200000xi32, #tpu.memory_space<hbm>> -> memref<20000xi32, #tpu.memory_space<hbm>>
        %dma_wait3A_55 = tpu.memref_slice %arg4[%add3A_46] : memref<3200000xi32, #tpu.memory_space<hbm>> -> memref<20000xi32, #tpu.memory_space<hbm>>
        tpu.wait_dma2 semaphore(%run_scoped3A : memref<!tpu.dma_semaphore, #tpu.memory_space<semaphore_mem>>) src(%dma_wait3A_55 : memref<20000xi32, #tpu.memory_space<hbm>>) dst(%arg9 : memref<20000xi32, #tpu.memory_space<vmem>>)
        tpu.yield
      }) : () -> ()
      %scan3A_47 = arith.constant 0.000000e+00 : f32
      %scan3A_48 = arith.constant 0 : i32
      %scan3A_49 = arith.constant 250 : i32
      %scan3A_50 = arith.addi %scan3A_48, %scan3A_49 : i32
      %scan3A_51 = arith.constant 1 : i32
      %scan3A_52:6 = scf.for %scan3A_54 = %scan3A_48 to %scan3A_50 step %scan3A_51 iter_args(%scan3A_55 = %scan3A_38, %scan3A_56 = %scan3A_39, %scan3A_57 = %scan3A_40, %scan3A_58 = %scan3A_41, %scan3A_59 = %scan3A_42, %scan3A_60 = %scan3A_43) -> (vector<16xf32>, vector<16xf32>, vector<16xf32>, vector<16xf32>, vector<16xf32>, vector<16xf32>)  : i32 {
        %mul3A_61 = arith.constant 5 : i32
        %mul3A_62 = arith.muli %mul3A_61, %scan3A_54 : i32
        %add3A_63 = arith.constant 0 : i32
        %add3A_64 = arith.addi %mul3A_62, %add3A_63 : i32
        %mul3A_65 = arith.constant 16 : i32
        %mul3A_66 = arith.muli %add3A_64, %mul3A_65 : i32
        %get3A_67 = arith.index_cast %mul3A_66 : i32 to index
        %get3A_68 = tpu.vector_load %arg7[%get3A_67] {strides = array<i32>} : memref<20000xf32, #tpu.memory_space<vmem>>, vector<16xf32>,
        %get3A_69 = arith.index_cast %mul3A_66 : i32 to index
        %get3A_70 = tpu.vector_load %arg8[%get3A_69] {strides = array<i32>} : memref<20000xf32, #tpu.memory_space<vmem>>, vector<16xf32>,
        %get3A_71 = arith.index_cast %mul3A_66 : i32 to index
        %get3A_72 = tpu.vector_load %arg9[%get3A_71] {strides = array<i32>} : memref<20000xi32, #tpu.memory_space<vmem>>, vector<16xi32>,
        %min3A = arith.constant 4095 : i32
        %min3A_73 = vector.broadcast %min3A : i32 to vector<16xi32>
        %min3A_74 = arith.minsi %get3A_72, %min3A_73 : vector<16xi32>
        %convert_element_type3A_75 = arith.sitofp %min3A_74 : vector<16xi32> to vector<16xf32>
        %mul3A_76 = arith.constant 14.2857141 : f32
        %mul3A_77 = vector.broadcast %mul3A_76 : f32 to vector<16xf32>
        %mul3A_78 = arith.mulf %get3A_68, %mul3A_77 : vector<16xf32>
        %sub3A = arith.subf %mul3A_78, %get3A_10 : vector<16xf32>
        %exp3A = math.exp %sub3A : vector<16xf32>
        %gt3A = arith.constant 5.000000e-01 : f32
        %gt3A_79 = vector.broadcast %gt3A : f32 to vector<16xf32>
        %gt3A_80 = arith.cmpf ogt, %get3A_70, %gt3A_79 : vector<16xf32>
        %broadcast_in_dim3A_81 = vector.broadcast %scan3A_47 : f32 to vector<16xf32>
        %select_n3A = arith.select %gt3A_80, %exp3A, %broadcast_in_dim3A_81 : vector<16xi1>, vector<16xf32>
        %jit3A = arith.constant 1.000000e+00 : f32
        %broadcast_in_dim3A_82 = vector.broadcast %jit3A : f32 to vector<16xf32>
        %broadcast_in_dim3A_83 = vector.broadcast %scan3A_47 : f32 to vector<16xf32>
        %select_n3A_84 = arith.select %gt3A_80, %broadcast_in_dim3A_82, %broadcast_in_dim3A_83 : vector<16xi1>, vector<16xf32>
        %abs3A = math.absf %get3A_68 : vector<16xf32>
        %neg3A = arith.constant 0.000000e+00 : f32
        %neg3A_85 = vector.broadcast %neg3A : f32 to vector<16xf32>
        %neg3A_86 = arith.subf %neg3A_85, %abs3A : vector<16xf32>
        %exp3A_87 = math.exp %neg3A_86 : vector<16xf32>
        %mul3A_88 = arith.constant 0.00525345793 : f32
        %mul3A_89 = vector.broadcast %mul3A_88 : f32 to vector<16xf32>
        %mul3A_90 = arith.mulf %mul3A_89, %exp3A_87 : vector<16xf32>
        %add3A_91 = arith.constant -0.0295885075 : f32
        %add3A_92 = vector.broadcast %add3A_91 : f32 to vector<16xf32>
        %add3A_93 = arith.addf %mul3A_90, %add3A_92 : vector<16xf32>
        %mul3A_94 = arith.mulf %add3A_93, %exp3A_87 : vector<16xf32>
        %add3A_95 = arith.constant 0.0783616676 : f32
        %add3A_96 = vector.broadcast %add3A_95 : f32 to vector<16xf32>
        %add3A_97 = arith.addf %mul3A_94, %add3A_96 : vector<16xf32>
        %mul3A_98 = arith.mulf %add3A_97, %exp3A_87 : vector<16xf32>
        %add3A_99 = arith.constant -0.136747703 : f32
        %add3A_100 = vector.broadcast %add3A_99 : f32 to vector<16xf32>
        %add3A_101 = arith.addf %mul3A_98, %add3A_100 : vector<16xf32>
        %mul3A_102 = arith.mulf %add3A_101, %exp3A_87 : vector<16xf32>
        %add3A_103 = arith.constant 0.191114306 : f32
        %add3A_104 = vector.broadcast %add3A_103 : f32 to vector<16xf32>
        %add3A_105 = arith.addf %mul3A_102, %add3A_104 : vector<16xf32>
        %mul3A_106 = arith.mulf %add3A_105, %exp3A_87 : vector<16xf32>
        %add3A_107 = arith.constant -0.248443693 : f32
        %add3A_108 = vector.broadcast %add3A_107 : f32 to vector<16xf32>
        %add3A_109 = arith.addf %mul3A_106, %add3A_108 : vector<16xf32>
        %mul3A_110 = arith.mulf %add3A_109, %exp3A_87 : vector<16xf32>
        %add3A_111 = arith.constant 0.333192706 : f32
        %add3A_112 = vector.broadcast %add3A_111 : f32 to vector<16xf32>
        %add3A_113 = arith.addf %mul3A_110, %add3A_112 : vector<16xf32>
        %mul3A_114 = arith.mulf %add3A_113, %exp3A_87 : vector<16xf32>
        %add3A_115 = arith.constant -0.499995023 : f32
        %add3A_116 = vector.broadcast %add3A_115 : f32 to vector<16xf32>
        %add3A_117 = arith.addf %mul3A_114, %add3A_116 : vector<16xf32>
        %mul3A_118 = arith.mulf %add3A_117, %exp3A_87 : vector<16xf32>
        %add3A_119 = arith.constant 1.000000e+00 : f32
        %add3A_120 = vector.broadcast %add3A_119 : f32 to vector<16xf32>
        %add3A_121 = arith.addf %mul3A_118, %add3A_120 : vector<16xf32>
        %max3A = arith.constant 0.000000e+00 : f32
        %max3A_122 = vector.broadcast %max3A : f32 to vector<16xf32>
        %max3A_123 = arith.maximumf %get3A_68, %max3A_122 : vector<16xf32>
        %mul3A_124 = arith.mulf %get3A_68, %get3A_70 : vector<16xf32>
        %sub3A_125 = arith.subf %max3A_123, %mul3A_124 : vector<16xf32>
        %mul3A_126 = arith.mulf %exp3A_87, %add3A_121 : vector<16xf32>
        %add3A_127 = arith.addf %sub3A_125, %mul3A_126 : vector<16xf32>
        %mul3A_128 = arith.constant 5 : i32
        %mul3A_129 = arith.muli %mul3A_128, %scan3A_54 : i32
        %add3A_130 = arith.constant 1 : i32
        %add3A_131 = arith.addi %mul3A_129, %add3A_130 : i32
        %mul3A_132 = arith.constant 16 : i32
        %mul3A_133 = arith.muli %add3A_131, %mul3A_132 : i32
        %get3A_134 = arith.index_cast %mul3A_133 : i32 to index
        %get3A_135 = tpu.vector_load %arg7[%get3A_134] {strides = array<i32>} : memref<20000xf32, #tpu.memory_space<vmem>>, vector<16xf32>,
        %get3A_136 = arith.index_cast %mul3A_133 : i32 to index
        %get3A_137 = tpu.vector_load %arg8[%get3A_136] {strides = array<i32>} : memref<20000xf32, #tpu.memory_space<vmem>>, vector<16xf32>,
        %get3A_138 = arith.index_cast %mul3A_133 : i32 to index
        %get3A_139 = tpu.vector_load %arg9[%get3A_138] {strides = array<i32>} : memref<20000xi32, #tpu.memory_space<vmem>>, vector<16xi32>,
        %min3A_140 = arith.constant 4095 : i32
        %min3A_141 = vector.broadcast %min3A_140 : i32 to vector<16xi32>
        %min3A_142 = arith.minsi %get3A_139, %min3A_141 : vector<16xi32>
        %convert_element_type3A_143 = arith.sitofp %min3A_142 : vector<16xi32> to vector<16xf32>
        %mul3A_144 = arith.constant 14.2857141 : f32
        %mul3A_145 = vector.broadcast %mul3A_144 : f32 to vector<16xf32>
        %mul3A_146 = arith.mulf %get3A_135, %mul3A_145 : vector<16xf32>
        %sub3A_147 = arith.subf %mul3A_146, %get3A_10 : vector<16xf32>
        %exp3A_148 = math.exp %sub3A_147 : vector<16xf32>
        %gt3A_149 = arith.constant 5.000000e-01 : f32
        %gt3A_150 = vector.broadcast %gt3A_149 : f32 to vector<16xf32>
        %gt3A_151 = arith.cmpf ogt, %get3A_137, %gt3A_150 : vector<16xf32>
        %broadcast_in_dim3A_152 = vector.broadcast %scan3A_47 : f32 to vector<16xf32>
        %select_n3A_153 = arith.select %gt3A_151, %exp3A_148, %broadcast_in_dim3A_152 : vector<16xi1>, vector<16xf32>
        %jit3A_154 = arith.constant 1.000000e+00 : f32
        %broadcast_in_dim3A_155 = vector.broadcast %jit3A_154 : f32 to vector<16xf32>
        %broadcast_in_dim3A_156 = vector.broadcast %scan3A_47 : f32 to vector<16xf32>
        %select_n3A_157 = arith.select %gt3A_151, %broadcast_in_dim3A_155, %broadcast_in_dim3A_156 : vector<16xi1>, vector<16xf32>
        %abs3A_158 = math.absf %get3A_135 : vector<16xf32>
        %neg3A_159 = arith.constant 0.000000e+00 : f32
        %neg3A_160 = vector.broadcast %neg3A_159 : f32 to vector<16xf32>
        %neg3A_161 = arith.subf %neg3A_160, %abs3A_158 : vector<16xf32>
        %exp3A_162 = math.exp %neg3A_161 : vector<16xf32>
        %mul3A_163 = arith.constant 0.00525345793 : f32
        %mul3A_164 = vector.broadcast %mul3A_163 : f32 to vector<16xf32>
        %mul3A_165 = arith.mulf %mul3A_164, %exp3A_162 : vector<16xf32>
        %add3A_166 = arith.constant -0.0295885075 : f32
        %add3A_167 = vector.broadcast %add3A_166 : f32 to vector<16xf32>
        %add3A_168 = arith.addf %mul3A_165, %add3A_167 : vector<16xf32>
        %mul3A_169 = arith.mulf %add3A_168, %exp3A_162 : vector<16xf32>
        %add3A_170 = arith.constant 0.0783616676 : f32
        %add3A_171 = vector.broadcast %add3A_170 : f32 to vector<16xf32>
        %add3A_172 = arith.addf %mul3A_169, %add3A_171 : vector<16xf32>
        %mul3A_173 = arith.mulf %add3A_172, %exp3A_162 : vector<16xf32>
        %add3A_174 = arith.constant -0.136747703 : f32
        %add3A_175 = vector.broadcast %add3A_174 : f32 to vector<16xf32>
        %add3A_176 = arith.addf %mul3A_173, %add3A_175 : vector<16xf32>
        %mul3A_177 = arith.mulf %add3A_176, %exp3A_162 : vector<16xf32>
        %add3A_178 = arith.constant 0.191114306 : f32
        %add3A_179 = vector.broadcast %add3A_178 : f32 to vector<16xf32>
        %add3A_180 = arith.addf %mul3A_177, %add3A_179 : vector<16xf32>
        %mul3A_181 = arith.mulf %add3A_180, %exp3A_162 : vector<16xf32>
        %add3A_182 = arith.constant -0.248443693 : f32
        %add3A_183 = vector.broadcast %add3A_182 : f32 to vector<16xf32>
        %add3A_184 = arith.addf %mul3A_181, %add3A_183 : vector<16xf32>
        %mul3A_185 = arith.mulf %add3A_184, %exp3A_162 : vector<16xf32>
        %add3A_186 = arith.constant 0.333192706 : f32
        %add3A_187 = vector.broadcast %add3A_186 : f32 to vector<16xf32>
        %add3A_188 = arith.addf %mul3A_185, %add3A_187 : vector<16xf32>
        %mul3A_189 = arith.mulf %add3A_188, %exp3A_162 : vector<16xf32>
        %add3A_190 = arith.constant -0.499995023 : f32
        %add3A_191 = vector.broadcast %add3A_190 : f32 to vector<16xf32>
        %add3A_192 = arith.addf %mul3A_189, %add3A_191 : vector<16xf32>
        %mul3A_193 = arith.mulf %add3A_192, %exp3A_162 : vector<16xf32>
        %add3A_194 = arith.constant 1.000000e+00 : f32
        %add3A_195 = vector.broadcast %add3A_194 : f32 to vector<16xf32>
        %add3A_196 = arith.addf %mul3A_193, %add3A_195 : vector<16xf32>
        %max3A_197 = arith.constant 0.000000e+00 : f32
        %max3A_198 = vector.broadcast %max3A_197 : f32 to vector<16xf32>
        %max3A_199 = arith.maximumf %get3A_135, %max3A_198 : vector<16xf32>
        %mul3A_200 = arith.mulf %get3A_135, %get3A_137 : vector<16xf32>
        %sub3A_201 = arith.subf %max3A_199, %mul3A_200 : vector<16xf32>
        %mul3A_202 = arith.mulf %exp3A_162, %add3A_196 : vector<16xf32>
        %add3A_203 = arith.addf %sub3A_201, %mul3A_202 : vector<16xf32>
        %mul3A_204 = arith.constant 5 : i32
        %mul3A_205 = arith.muli %mul3A_204, %scan3A_54 : i32
        %add3A_206 = arith.constant 2 : i32
        %add3A_207 = arith.addi %mul3A_205, %add3A_206 : i32
        %mul3A_208 = arith.constant 16 : i32
        %mul3A_209 = arith.muli %add3A_207, %mul3A_208 : i32
        %get3A_210 = arith.index_cast %mul3A_209 : i32 to index
        %get3A_211 = tpu.vector_load %arg7[%get3A_210] {strides = array<i32>} : memref<20000xf32, #tpu.memory_space<vmem>>, vector<16xf32>,
        %get3A_212 = arith.index_cast %mul3A_209 : i32 to index
        %get3A_213 = tpu.vector_load %arg8[%get3A_212] {strides = array<i32>} : memref<20000xf32, #tpu.memory_space<vmem>>, vector<16xf32>,
        %get3A_214 = arith.index_cast %mul3A_209 : i32 to index
        %get3A_215 = tpu.vector_load %arg9[%get3A_214] {strides = array<i32>} : memref<20000xi32, #tpu.memory_space<vmem>>, vector<16xi32>,
        %min3A_216 = arith.constant 4095 : i32
        %min3A_217 = vector.broadcast %min3A_216 : i32 to vector<16xi32>
        %min3A_218 = arith.minsi %get3A_215, %min3A_217 : vector<16xi32>
        %convert_element_type3A_219 = arith.sitofp %min3A_218 : vector<16xi32> to vector<16xf32>
        %mul3A_220 = arith.constant 14.2857141 : f32
        %mul3A_221 = vector.broadcast %mul3A_220 : f32 to vector<16xf32>
        %mul3A_222 = arith.mulf %get3A_211, %mul3A_221 : vector<16xf32>
        %sub3A_223 = arith.subf %mul3A_222, %get3A_10 : vector<16xf32>
        %exp3A_224 = math.exp %sub3A_223 : vector<16xf32>
        %gt3A_225 = arith.constant 5.000000e-01 : f32
        %gt3A_226 = vector.broadcast %gt3A_225 : f32 to vector<16xf32>
        %gt3A_227 = arith.cmpf ogt, %get3A_213, %gt3A_226 : vector<16xf32>
        %broadcast_in_dim3A_228 = vector.broadcast %scan3A_47 : f32 to vector<16xf32>
        %select_n3A_229 = arith.select %gt3A_227, %exp3A_224, %broadcast_in_dim3A_228 : vector<16xi1>, vector<16xf32>
        %jit3A_230 = arith.constant 1.000000e+00 : f32
        %broadcast_in_dim3A_231 = vector.broadcast %jit3A_230 : f32 to vector<16xf32>
        %broadcast_in_dim3A_232 = vector.broadcast %scan3A_47 : f32 to vector<16xf32>
        %select_n3A_233 = arith.select %gt3A_227, %broadcast_in_dim3A_231, %broadcast_in_dim3A_232 : vector<16xi1>, vector<16xf32>
        %abs3A_234 = math.absf %get3A_211 : vector<16xf32>
        %neg3A_235 = arith.constant 0.000000e+00 : f32
        %neg3A_236 = vector.broadcast %neg3A_235 : f32 to vector<16xf32>
        %neg3A_237 = arith.subf %neg3A_236, %abs3A_234 : vector<16xf32>
        %exp3A_238 = math.exp %neg3A_237 : vector<16xf32>
        %mul3A_239 = arith.constant 0.00525345793 : f32
        %mul3A_240 = vector.broadcast %mul3A_239 : f32 to vector<16xf32>
        %mul3A_241 = arith.mulf %mul3A_240, %exp3A_238 : vector<16xf32>
        %add3A_242 = arith.constant -0.0295885075 : f32
        %add3A_243 = vector.broadcast %add3A_242 : f32 to vector<16xf32>
        %add3A_244 = arith.addf %mul3A_241, %add3A_243 : vector<16xf32>
        %mul3A_245 = arith.mulf %add3A_244, %exp3A_238 : vector<16xf32>
        %add3A_246 = arith.constant 0.0783616676 : f32
        %add3A_247 = vector.broadcast %add3A_246 : f32 to vector<16xf32>
        %add3A_248 = arith.addf %mul3A_245, %add3A_247 : vector<16xf32>
        %mul3A_249 = arith.mulf %add3A_248, %exp3A_238 : vector<16xf32>
        %add3A_250 = arith.constant -0.136747703 : f32
        %add3A_251 = vector.broadcast %add3A_250 : f32 to vector<16xf32>
        %add3A_252 = arith.addf %mul3A_249, %add3A_251 : vector<16xf32>
        %mul3A_253 = arith.mulf %add3A_252, %exp3A_238 : vector<16xf32>
        %add3A_254 = arith.constant 0.191114306 : f32
        %add3A_255 = vector.broadcast %add3A_254 : f32 to vector<16xf32>
        %add3A_256 = arith.addf %mul3A_253, %add3A_255 : vector<16xf32>
        %mul3A_257 = arith.mulf %add3A_256, %exp3A_238 : vector<16xf32>
        %add3A_258 = arith.constant -0.248443693 : f32
        %add3A_259 = vector.broadcast %add3A_258 : f32 to vector<16xf32>
        %add3A_260 = arith.addf %mul3A_257, %add3A_259 : vector<16xf32>
        %mul3A_261 = arith.mulf %add3A_260, %exp3A_238 : vector<16xf32>
        %add3A_262 = arith.constant 0.333192706 : f32
        %add3A_263 = vector.broadcast %add3A_262 : f32 to vector<16xf32>
        %add3A_264 = arith.addf %mul3A_261, %add3A_263 : vector<16xf32>
        %mul3A_265 = arith.mulf %add3A_264, %exp3A_238 : vector<16xf32>
        %add3A_266 = arith.constant -0.499995023 : f32
        %add3A_267 = vector.broadcast %add3A_266 : f32 to vector<16xf32>
        %add3A_268 = arith.addf %mul3A_265, %add3A_267 : vector<16xf32>
        %mul3A_269 = arith.mulf %add3A_268, %exp3A_238 : vector<16xf32>
        %add3A_270 = arith.constant 1.000000e+00 : f32
        %add3A_271 = vector.broadcast %add3A_270 : f32 to vector<16xf32>
        %add3A_272 = arith.addf %mul3A_269, %add3A_271 : vector<16xf32>
        %max3A_273 = arith.constant 0.000000e+00 : f32
        %max3A_274 = vector.broadcast %max3A_273 : f32 to vector<16xf32>
        %max3A_275 = arith.maximumf %get3A_211, %max3A_274 : vector<16xf32>
        %mul3A_276 = arith.mulf %get3A_211, %get3A_213 : vector<16xf32>
        %sub3A_277 = arith.subf %max3A_275, %mul3A_276 : vector<16xf32>
        %mul3A_278 = arith.mulf %exp3A_238, %add3A_272 : vector<16xf32>
        %add3A_279 = arith.addf %sub3A_277, %mul3A_278 : vector<16xf32>
        %mul3A_280 = arith.constant 5 : i32
        %mul3A_281 = arith.muli %mul3A_280, %scan3A_54 : i32
        %add3A_282 = arith.constant 3 : i32
        %add3A_283 = arith.addi %mul3A_281, %add3A_282 : i32
        %mul3A_284 = arith.constant 16 : i32
        %mul3A_285 = arith.muli %add3A_283, %mul3A_284 : i32
        %get3A_286 = arith.index_cast %mul3A_285 : i32 to index
        %get3A_287 = tpu.vector_load %arg7[%get3A_286] {strides = array<i32>} : memref<20000xf32, #tpu.memory_space<vmem>>, vector<16xf32>,
        %get3A_288 = arith.index_cast %mul3A_285 : i32 to index
        %get3A_289 = tpu.vector_load %arg8[%get3A_288] {strides = array<i32>} : memref<20000xf32, #tpu.memory_space<vmem>>, vector<16xf32>,
        %get3A_290 = arith.index_cast %mul3A_285 : i32 to index
        %get3A_291 = tpu.vector_load %arg9[%get3A_290] {strides = array<i32>} : memref<20000xi32, #tpu.memory_space<vmem>>, vector<16xi32>,
        %min3A_292 = arith.constant 4095 : i32
        %min3A_293 = vector.broadcast %min3A_292 : i32 to vector<16xi32>
        %min3A_294 = arith.minsi %get3A_291, %min3A_293 : vector<16xi32>
        %convert_element_type3A_295 = arith.sitofp %min3A_294 : vector<16xi32> to vector<16xf32>
        %mul3A_296 = arith.constant 14.2857141 : f32
        %mul3A_297 = vector.broadcast %mul3A_296 : f32 to vector<16xf32>
        %mul3A_298 = arith.mulf %get3A_287, %mul3A_297 : vector<16xf32>
        %sub3A_299 = arith.subf %mul3A_298, %get3A_10 : vector<16xf32>
        %exp3A_300 = math.exp %sub3A_299 : vector<16xf32>
        %gt3A_301 = arith.constant 5.000000e-01 : f32
        %gt3A_302 = vector.broadcast %gt3A_301 : f32 to vector<16xf32>
        %gt3A_303 = arith.cmpf ogt, %get3A_289, %gt3A_302 : vector<16xf32>
        %broadcast_in_dim3A_304 = vector.broadcast %scan3A_47 : f32 to vector<16xf32>
        %select_n3A_305 = arith.select %gt3A_303, %exp3A_300, %broadcast_in_dim3A_304 : vector<16xi1>, vector<16xf32>
        %jit3A_306 = arith.constant 1.000000e+00 : f32
        %broadcast_in_dim3A_307 = vector.broadcast %jit3A_306 : f32 to vector<16xf32>
        %broadcast_in_dim3A_308 = vector.broadcast %scan3A_47 : f32 to vector<16xf32>
        %select_n3A_309 = arith.select %gt3A_303, %broadcast_in_dim3A_307, %broadcast_in_dim3A_308 : vector<16xi1>, vector<16xf32>
        %abs3A_310 = math.absf %get3A_287 : vector<16xf32>
        %neg3A_311 = arith.constant 0.000000e+00 : f32
        %neg3A_312 = vector.broadcast %neg3A_311 : f32 to vector<16xf32>
        %neg3A_313 = arith.subf %neg3A_312, %abs3A_310 : vector<16xf32>
        %exp3A_314 = math.exp %neg3A_313 : vector<16xf32>
        %mul3A_315 = arith.constant 0.00525345793 : f32
        %mul3A_316 = vector.broadcast %mul3A_315 : f32 to vector<16xf32>
        %mul3A_317 = arith.mulf %mul3A_316, %exp3A_314 : vector<16xf32>
        %add3A_318 = arith.constant -0.0295885075 : f32
        %add3A_319 = vector.broadcast %add3A_318 : f32 to vector<16xf32>
        %add3A_320 = arith.addf %mul3A_317, %add3A_319 : vector<16xf32>
        %mul3A_321 = arith.mulf %add3A_320, %exp3A_314 : vector<16xf32>
        %add3A_322 = arith.constant 0.0783616676 : f32
        %add3A_323 = vector.broadcast %add3A_322 : f32 to vector<16xf32>
        %add3A_324 = arith.addf %mul3A_321, %add3A_323 : vector<16xf32>
        %mul3A_325 = arith.mulf %add3A_324, %exp3A_314 : vector<16xf32>
        %add3A_326 = arith.constant -0.136747703 : f32
        %add3A_327 = vector.broadcast %add3A_326 : f32 to vector<16xf32>
        %add3A_328 = arith.addf %mul3A_325, %add3A_327 : vector<16xf32>
        %mul3A_329 = arith.mulf %add3A_328, %exp3A_314 : vector<16xf32>
        %add3A_330 = arith.constant 0.191114306 : f32
        %add3A_331 = vector.broadcast %add3A_330 : f32 to vector<16xf32>
        %add3A_332 = arith.addf %mul3A_329, %add3A_331 : vector<16xf32>
        %mul3A_333 = arith.mulf %add3A_332, %exp3A_314 : vector<16xf32>
        %add3A_334 = arith.constant -0.248443693 : f32
        %add3A_335 = vector.broadcast %add3A_334 : f32 to vector<16xf32>
        %add3A_336 = arith.addf %mul3A_333, %add3A_335 : vector<16xf32>
        %mul3A_337 = arith.mulf %add3A_336, %exp3A_314 : vector<16xf32>
        %add3A_338 = arith.constant 0.333192706 : f32
        %add3A_339 = vector.broadcast %add3A_338 : f32 to vector<16xf32>
        %add3A_340 = arith.addf %mul3A_337, %add3A_339 : vector<16xf32>
        %mul3A_341 = arith.mulf %add3A_340, %exp3A_314 : vector<16xf32>
        %add3A_342 = arith.constant -0.499995023 : f32
        %add3A_343 = vector.broadcast %add3A_342 : f32 to vector<16xf32>
        %add3A_344 = arith.addf %mul3A_341, %add3A_343 : vector<16xf32>
        %mul3A_345 = arith.mulf %add3A_344, %exp3A_314 : vector<16xf32>
        %add3A_346 = arith.constant 1.000000e+00 : f32
        %add3A_347 = vector.broadcast %add3A_346 : f32 to vector<16xf32>
        %add3A_348 = arith.addf %mul3A_345, %add3A_347 : vector<16xf32>
        %max3A_349 = arith.constant 0.000000e+00 : f32
        %max3A_350 = vector.broadcast %max3A_349 : f32 to vector<16xf32>
        %max3A_351 = arith.maximumf %get3A_287, %max3A_350 : vector<16xf32>
        %mul3A_352 = arith.mulf %get3A_287, %get3A_289 : vector<16xf32>
        %sub3A_353 = arith.subf %max3A_351, %mul3A_352 : vector<16xf32>
        %mul3A_354 = arith.mulf %exp3A_314, %add3A_348 : vector<16xf32>
        %add3A_355 = arith.addf %sub3A_353, %mul3A_354 : vector<16xf32>
        %mul3A_356 = arith.constant 5 : i32
        %mul3A_357 = arith.muli %mul3A_356, %scan3A_54 : i32
        %add3A_358 = arith.constant 4 : i32
        %add3A_359 = arith.addi %mul3A_357, %add3A_358 : i32
        %mul3A_360 = arith.constant 16 : i32
        %mul3A_361 = arith.muli %add3A_359, %mul3A_360 : i32
        %get3A_362 = arith.index_cast %mul3A_361 : i32 to index
        %get3A_363 = tpu.vector_load %arg7[%get3A_362] {strides = array<i32>} : memref<20000xf32, #tpu.memory_space<vmem>>, vector<16xf32>,
        %get3A_364 = arith.index_cast %mul3A_361 : i32 to index
        %get3A_365 = tpu.vector_load %arg8[%get3A_364] {strides = array<i32>} : memref<20000xf32, #tpu.memory_space<vmem>>, vector<16xf32>,
        %get3A_366 = arith.index_cast %mul3A_361 : i32 to index
        %get3A_367 = tpu.vector_load %arg9[%get3A_366] {strides = array<i32>} : memref<20000xi32, #tpu.memory_space<vmem>>, vector<16xi32>,
        %min3A_368 = arith.constant 4095 : i32
        %min3A_369 = vector.broadcast %min3A_368 : i32 to vector<16xi32>
        %min3A_370 = arith.minsi %get3A_367, %min3A_369 : vector<16xi32>
        %convert_element_type3A_371 = arith.sitofp %min3A_370 : vector<16xi32> to vector<16xf32>
        %mul3A_372 = arith.constant 14.2857141 : f32
        %mul3A_373 = vector.broadcast %mul3A_372 : f32 to vector<16xf32>
        %mul3A_374 = arith.mulf %get3A_363, %mul3A_373 : vector<16xf32>
        %sub3A_375 = arith.subf %mul3A_374, %get3A_10 : vector<16xf32>
        %exp3A_376 = math.exp %sub3A_375 : vector<16xf32>
        %gt3A_377 = arith.constant 5.000000e-01 : f32
        %gt3A_378 = vector.broadcast %gt3A_377 : f32 to vector<16xf32>
        %gt3A_379 = arith.cmpf ogt, %get3A_365, %gt3A_378 : vector<16xf32>
        %broadcast_in_dim3A_380 = vector.broadcast %scan3A_47 : f32 to vector<16xf32>
        %select_n3A_381 = arith.select %gt3A_379, %exp3A_376, %broadcast_in_dim3A_380 : vector<16xi1>, vector<16xf32>
        %jit3A_382 = arith.constant 1.000000e+00 : f32
        %broadcast_in_dim3A_383 = vector.broadcast %jit3A_382 : f32 to vector<16xf32>
        %broadcast_in_dim3A_384 = vector.broadcast %scan3A_47 : f32 to vector<16xf32>
        %select_n3A_385 = arith.select %gt3A_379, %broadcast_in_dim3A_383, %broadcast_in_dim3A_384 : vector<16xi1>, vector<16xf32>
        %abs3A_386 = math.absf %get3A_363 : vector<16xf32>
        %neg3A_387 = arith.constant 0.000000e+00 : f32
        %neg3A_388 = vector.broadcast %neg3A_387 : f32 to vector<16xf32>
        %neg3A_389 = arith.subf %neg3A_388, %abs3A_386 : vector<16xf32>
        %exp3A_390 = math.exp %neg3A_389 : vector<16xf32>
        %mul3A_391 = arith.constant 0.00525345793 : f32
        %mul3A_392 = vector.broadcast %mul3A_391 : f32 to vector<16xf32>
        %mul3A_393 = arith.mulf %mul3A_392, %exp3A_390 : vector<16xf32>
        %add3A_394 = arith.constant -0.0295885075 : f32
        %add3A_395 = vector.broadcast %add3A_394 : f32 to vector<16xf32>
        %add3A_396 = arith.addf %mul3A_393, %add3A_395 : vector<16xf32>
        %mul3A_397 = arith.mulf %add3A_396, %exp3A_390 : vector<16xf32>
        %add3A_398 = arith.constant 0.0783616676 : f32
        %add3A_399 = vector.broadcast %add3A_398 : f32 to vector<16xf32>
        %add3A_400 = arith.addf %mul3A_397, %add3A_399 : vector<16xf32>
        %mul3A_401 = arith.mulf %add3A_400, %exp3A_390 : vector<16xf32>
        %add3A_402 = arith.constant -0.136747703 : f32
        %add3A_403 = vector.broadcast %add3A_402 : f32 to vector<16xf32>
        %add3A_404 = arith.addf %mul3A_401, %add3A_403 : vector<16xf32>
        %mul3A_405 = arith.mulf %add3A_404, %exp3A_390 : vector<16xf32>
        %add3A_406 = arith.constant 0.191114306 : f32
        %add3A_407 = vector.broadcast %add3A_406 : f32 to vector<16xf32>
        %add3A_408 = arith.addf %mul3A_405, %add3A_407 : vector<16xf32>
        %mul3A_409 = arith.mulf %add3A_408, %exp3A_390 : vector<16xf32>
        %add3A_410 = arith.constant -0.248443693 : f32
        %add3A_411 = vector.broadcast %add3A_410 : f32 to vector<16xf32>
        %add3A_412 = arith.addf %mul3A_409, %add3A_411 : vector<16xf32>
        %mul3A_413 = arith.mulf %add3A_412, %exp3A_390 : vector<16xf32>
        %add3A_414 = arith.constant 0.333192706 : f32
        %add3A_415 = vector.broadcast %add3A_414 : f32 to vector<16xf32>
        %add3A_416 = arith.addf %mul3A_413, %add3A_415 : vector<16xf32>
        %mul3A_417 = arith.mulf %add3A_416, %exp3A_390 : vector<16xf32>
        %add3A_418 = arith.constant -0.499995023 : f32
        %add3A_419 = vector.broadcast %add3A_418 : f32 to vector<16xf32>
        %add3A_420 = arith.addf %mul3A_417, %add3A_419 : vector<16xf32>
        %mul3A_421 = arith.mulf %add3A_420, %exp3A_390 : vector<16xf32>
        %add3A_422 = arith.constant 1.000000e+00 : f32
        %add3A_423 = vector.broadcast %add3A_422 : f32 to vector<16xf32>
        %add3A_424 = arith.addf %mul3A_421, %add3A_423 : vector<16xf32>
        %max3A_425 = arith.constant 0.000000e+00 : f32
        %max3A_426 = vector.broadcast %max3A_425 : f32 to vector<16xf32>
        %max3A_427 = arith.maximumf %get3A_363, %max3A_426 : vector<16xf32>
        %mul3A_428 = arith.mulf %get3A_363, %get3A_365 : vector<16xf32>
        %sub3A_429 = arith.subf %max3A_427, %mul3A_428 : vector<16xf32>
        %mul3A_430 = arith.mulf %exp3A_390, %add3A_424 : vector<16xf32>
        %add3A_431 = arith.addf %sub3A_429, %mul3A_430 : vector<16xf32>
        %gather3A = vector.shape_cast %broadcast_in_dim3A_16 : vector<16x1xi32> to vector<16xi32>
        %gather3A_432 = tpu.dynamic_gather %convert_element_type3A_371[%gather3A] in [0] : vector<16xf32>, vector<16xi32> -> vector<16xf32>
        %ne3A = arith.cmpf one, %gather3A_432, %scan3A_55 : vector<16xf32>
        %convert_element_type3A_433 = arith.fptosi %scan3A_55 : vector<16xf32> to vector<16xi32>
        %eq3A = arith.cmpf oeq, %convert_element_type3A_75, %scan3A_55 : vector<16xf32>
        %eq3A_434 = arith.cmpf oeq, %convert_element_type3A_75, %gather3A_432 : vector<16xf32>
        %not3A = arith.constant dense<true> : vector<16xi1>
        %not3A_435 = arith.xori %eq3A, %not3A : vector<16xi1>
        %not3A_436 = arith.constant dense<true> : vector<16xi1>
        %not3A_437 = arith.xori %eq3A_434, %not3A_436 : vector<16xi1>
        %and3A = arith.andi %not3A_435, %not3A_437 : vector<16xi1>
        %broadcast_in_dim3A_438 = vector.broadcast %scan3A_47 : f32 to vector<16xf32>
        %select_n3A_439 = arith.select %eq3A, %exp3A, %broadcast_in_dim3A_438 : vector<16xi1>, vector<16xf32>
        %add3A_440 = arith.addf %scan3A_56, %select_n3A_439 : vector<16xf32>
        %broadcast_in_dim3A_441 = vector.broadcast %scan3A_47 : f32 to vector<16xf32>
        %select_n3A_442 = arith.select %eq3A_434, %exp3A, %broadcast_in_dim3A_441 : vector<16xi1>, vector<16xf32>
        %add3A_443 = arith.addf %broadcast_in_dim3A_14, %select_n3A_442 : vector<16xf32>
        %add3A_444 = arith.constant 0 : i32
        %add3A_445 = vector.broadcast %add3A_444 : i32 to vector<16xi32>
        %add3A_446 = arith.addi %min3A_74, %add3A_445 : vector<16xi32>
        tpu.vector_store_idx %arg10[%add3A_446], %exp3A masked %and3A {add = true} : memref<20480xf32, #tpu.memory_space<vmem>>[vector<16xi32>], vector<16xf32>, vector<16xi1>
        %broadcast_in_dim3A_447 = vector.broadcast %scan3A_47 : f32 to vector<16xf32>
        %select_n3A_448 = arith.select %eq3A, %select_n3A, %broadcast_in_dim3A_447 : vector<16xi1>, vector<16xf32>
        %add3A_449 = arith.addf %scan3A_57, %select_n3A_448 : vector<16xf32>
        %broadcast_in_dim3A_450 = vector.broadcast %scan3A_47 : f32 to vector<16xf32>
        %select_n3A_451 = arith.select %eq3A_434, %select_n3A, %broadcast_in_dim3A_450 : vector<16xi1>, vector<16xf32>
        %add3A_452 = arith.addf %broadcast_in_dim3A_14, %select_n3A_451 : vector<16xf32>
        %add3A_453 = arith.constant 4096 : i32
        %add3A_454 = vector.broadcast %add3A_453 : i32 to vector<16xi32>
        %add3A_455 = arith.addi %min3A_74, %add3A_454 : vector<16xi32>
        tpu.vector_store_idx %arg10[%add3A_455], %select_n3A masked %and3A {add = true} : memref<20480xf32, #tpu.memory_space<vmem>>[vector<16xi32>], vector<16xf32>, vector<16xi1>
        %broadcast_in_dim3A_456 = vector.broadcast %scan3A_47 : f32 to vector<16xf32>
        %select_n3A_457 = arith.select %eq3A, %select_n3A_84, %broadcast_in_dim3A_456 : vector<16xi1>, vector<16xf32>
        %add3A_458 = arith.addf %scan3A_58, %select_n3A_457 : vector<16xf32>
        %broadcast_in_dim3A_459 = vector.broadcast %scan3A_47 : f32 to vector<16xf32>
        %select_n3A_460 = arith.select %eq3A_434, %select_n3A_84, %broadcast_in_dim3A_459 : vector<16xi1>, vector<16xf32>
        %add3A_461 = arith.addf %broadcast_in_dim3A_14, %select_n3A_460 : vector<16xf32>
        %add3A_462 = arith.constant 8192 : i32
        %add3A_463 = vector.broadcast %add3A_462 : i32 to vector<16xi32>
        %add3A_464 = arith.addi %min3A_74, %add3A_463 : vector<16xi32>
        tpu.vector_store_idx %arg10[%add3A_464], %select_n3A_84 masked %and3A {add = true} : memref<20480xf32, #tpu.memory_space<vmem>>[vector<16xi32>], vector<16xf32>, vector<16xi1>
        %broadcast_in_dim3A_465 = vector.broadcast %scan3A_47 : f32 to vector<16xf32>
        %select_n3A_466 = arith.select %eq3A, %broadcast_in_dim3A_12, %broadcast_in_dim3A_465 : vector<16xi1>, vector<16xf32>
        %add3A_467 = arith.addf %scan3A_59, %select_n3A_466 : vector<16xf32>
        %broadcast_in_dim3A_468 = vector.broadcast %scan3A_47 : f32 to vector<16xf32>
        %select_n3A_469 = arith.select %eq3A_434, %broadcast_in_dim3A_12, %broadcast_in_dim3A_468 : vector<16xi1>, vector<16xf32>
        %add3A_470 = arith.addf %broadcast_in_dim3A_14, %select_n3A_469 : vector<16xf32>
        %add3A_471 = arith.constant 12288 : i32
        %add3A_472 = vector.broadcast %add3A_471 : i32 to vector<16xi32>
        %add3A_473 = arith.addi %min3A_74, %add3A_472 : vector<16xi32>
        tpu.vector_store_idx %arg10[%add3A_473], %broadcast_in_dim3A_12 masked %and3A {add = true} : memref<20480xf32, #tpu.memory_space<vmem>>[vector<16xi32>], vector<16xf32>, vector<16xi1>
        %broadcast_in_dim3A_474 = vector.broadcast %scan3A_47 : f32 to vector<16xf32>
        %select_n3A_475 = arith.select %eq3A, %add3A_127, %broadcast_in_dim3A_474 : vector<16xi1>, vector<16xf32>
        %add3A_476 = arith.addf %scan3A_60, %select_n3A_475 : vector<16xf32>
        %broadcast_in_dim3A_477 = vector.broadcast %scan3A_47 : f32 to vector<16xf32>
        %select_n3A_478 = arith.select %eq3A_434, %add3A_127, %broadcast_in_dim3A_477 : vector<16xi1>, vector<16xf32>
        %add3A_479 = arith.addf %broadcast_in_dim3A_14, %select_n3A_478 : vector<16xf32>
        %add3A_480 = arith.constant 16384 : i32
        %add3A_481 = vector.broadcast %add3A_480 : i32 to vector<16xi32>
        %add3A_482 = arith.addi %min3A_74, %add3A_481 : vector<16xi32>
        tpu.vector_store_idx %arg10[%add3A_482], %add3A_127 masked %and3A {add = true} : memref<20480xf32, #tpu.memory_space<vmem>>[vector<16xi32>], vector<16xf32>, vector<16xi1>
        %eq3A_483 = arith.cmpf oeq, %convert_element_type3A_143, %scan3A_55 : vector<16xf32>
        %eq3A_484 = arith.cmpf oeq, %convert_element_type3A_143, %gather3A_432 : vector<16xf32>
        %not3A_485 = arith.constant dense<true> : vector<16xi1>
        %not3A_486 = arith.xori %eq3A_483, %not3A_485 : vector<16xi1>
        %not3A_487 = arith.constant dense<true> : vector<16xi1>
        %not3A_488 = arith.xori %eq3A_484, %not3A_487 : vector<16xi1>
        %and3A_489 = arith.andi %not3A_486, %not3A_488 : vector<16xi1>
        %broadcast_in_dim3A_490 = vector.broadcast %scan3A_47 : f32 to vector<16xf32>
        %select_n3A_491 = arith.select %eq3A_483, %exp3A_148, %broadcast_in_dim3A_490 : vector<16xi1>, vector<16xf32>
        %add3A_492 = arith.addf %add3A_440, %select_n3A_491 : vector<16xf32>
        %broadcast_in_dim3A_493 = vector.broadcast %scan3A_47 : f32 to vector<16xf32>
        %select_n3A_494 = arith.select %eq3A_484, %exp3A_148, %broadcast_in_dim3A_493 : vector<16xi1>, vector<16xf32>
        %add3A_495 = arith.addf %add3A_443, %select_n3A_494 : vector<16xf32>
        %add3A_496 = arith.constant 0 : i32
        %add3A_497 = vector.broadcast %add3A_496 : i32 to vector<16xi32>
        %add3A_498 = arith.addi %min3A_142, %add3A_497 : vector<16xi32>
        tpu.vector_store_idx %arg10[%add3A_498], %exp3A_148 masked %and3A_489 {add = true} : memref<20480xf32, #tpu.memory_space<vmem>>[vector<16xi32>], vector<16xf32>, vector<16xi1>
        %broadcast_in_dim3A_499 = vector.broadcast %scan3A_47 : f32 to vector<16xf32>
        %select_n3A_500 = arith.select %eq3A_483, %select_n3A_153, %broadcast_in_dim3A_499 : vector<16xi1>, vector<16xf32>
        %add3A_501 = arith.addf %add3A_449, %select_n3A_500 : vector<16xf32>
        %broadcast_in_dim3A_502 = vector.broadcast %scan3A_47 : f32 to vector<16xf32>
        %select_n3A_503 = arith.select %eq3A_484, %select_n3A_153, %broadcast_in_dim3A_502 : vector<16xi1>, vector<16xf32>
        %add3A_504 = arith.addf %add3A_452, %select_n3A_503 : vector<16xf32>
        %add3A_505 = arith.constant 4096 : i32
        %add3A_506 = vector.broadcast %add3A_505 : i32 to vector<16xi32>
        %add3A_507 = arith.addi %min3A_142, %add3A_506 : vector<16xi32>
        tpu.vector_store_idx %arg10[%add3A_507], %select_n3A_153 masked %and3A_489 {add = true} : memref<20480xf32, #tpu.memory_space<vmem>>[vector<16xi32>], vector<16xf32>, vector<16xi1>
        %broadcast_in_dim3A_508 = vector.broadcast %scan3A_47 : f32 to vector<16xf32>
        %select_n3A_509 = arith.select %eq3A_483, %select_n3A_157, %broadcast_in_dim3A_508 : vector<16xi1>, vector<16xf32>
        %add3A_510 = arith.addf %add3A_458, %select_n3A_509 : vector<16xf32>
        %broadcast_in_dim3A_511 = vector.broadcast %scan3A_47 : f32 to vector<16xf32>
        %select_n3A_512 = arith.select %eq3A_484, %select_n3A_157, %broadcast_in_dim3A_511 : vector<16xi1>, vector<16xf32>
        %add3A_513 = arith.addf %add3A_461, %select_n3A_512 : vector<16xf32>
        %add3A_514 = arith.constant 8192 : i32
        %add3A_515 = vector.broadcast %add3A_514 : i32 to vector<16xi32>
        %add3A_516 = arith.addi %min3A_142, %add3A_515 : vector<16xi32>
        tpu.vector_store_idx %arg10[%add3A_516], %select_n3A_157 masked %and3A_489 {add = true} : memref<20480xf32, #tpu.memory_space<vmem>>[vector<16xi32>], vector<16xf32>, vector<16xi1>
        %broadcast_in_dim3A_517 = vector.broadcast %scan3A_47 : f32 to vector<16xf32>
        %select_n3A_518 = arith.select %eq3A_483, %broadcast_in_dim3A_12, %broadcast_in_dim3A_517 : vector<16xi1>, vector<16xf32>
        %add3A_519 = arith.addf %add3A_467, %select_n3A_518 : vector<16xf32>
        %broadcast_in_dim3A_520 = vector.broadcast %scan3A_47 : f32 to vector<16xf32>
        %select_n3A_521 = arith.select %eq3A_484, %broadcast_in_dim3A_12, %broadcast_in_dim3A_520 : vector<16xi1>, vector<16xf32>
        %add3A_522 = arith.addf %add3A_470, %select_n3A_521 : vector<16xf32>
        %add3A_523 = arith.constant 12288 : i32
        %add3A_524 = vector.broadcast %add3A_523 : i32 to vector<16xi32>
        %add3A_525 = arith.addi %min3A_142, %add3A_524 : vector<16xi32>
        tpu.vector_store_idx %arg10[%add3A_525], %broadcast_in_dim3A_12 masked %and3A_489 {add = true} : memref<20480xf32, #tpu.memory_space<vmem>>[vector<16xi32>], vector<16xf32>, vector<16xi1>
        %broadcast_in_dim3A_526 = vector.broadcast %scan3A_47 : f32 to vector<16xf32>
        %select_n3A_527 = arith.select %eq3A_483, %add3A_203, %broadcast_in_dim3A_526 : vector<16xi1>, vector<16xf32>
        %add3A_528 = arith.addf %add3A_476, %select_n3A_527 : vector<16xf32>
        %broadcast_in_dim3A_529 = vector.broadcast %scan3A_47 : f32 to vector<16xf32>
        %select_n3A_530 = arith.select %eq3A_484, %add3A_203, %broadcast_in_dim3A_529 : vector<16xi1>, vector<16xf32>
        %add3A_531 = arith.addf %add3A_479, %select_n3A_530 : vector<16xf32>
        %add3A_532 = arith.constant 16384 : i32
        %add3A_533 = vector.broadcast %add3A_532 : i32 to vector<16xi32>
        %add3A_534 = arith.addi %min3A_142, %add3A_533 : vector<16xi32>
        tpu.vector_store_idx %arg10[%add3A_534], %add3A_203 masked %and3A_489 {add = true} : memref<20480xf32, #tpu.memory_space<vmem>>[vector<16xi32>], vector<16xf32>, vector<16xi1>
        %eq3A_535 = arith.cmpf oeq, %convert_element_type3A_219, %scan3A_55 : vector<16xf32>
        %eq3A_536 = arith.cmpf oeq, %convert_element_type3A_219, %gather3A_432 : vector<16xf32>
        %not3A_537 = arith.constant dense<true> : vector<16xi1>
        %not3A_538 = arith.xori %eq3A_535, %not3A_537 : vector<16xi1>
        %not3A_539 = arith.constant dense<true> : vector<16xi1>
        %not3A_540 = arith.xori %eq3A_536, %not3A_539 : vector<16xi1>
        %and3A_541 = arith.andi %not3A_538, %not3A_540 : vector<16xi1>
        %broadcast_in_dim3A_542 = vector.broadcast %scan3A_47 : f32 to vector<16xf32>
        %select_n3A_543 = arith.select %eq3A_535, %exp3A_224, %broadcast_in_dim3A_542 : vector<16xi1>, vector<16xf32>
        %add3A_544 = arith.addf %add3A_492, %select_n3A_543 : vector<16xf32>
        %broadcast_in_dim3A_545 = vector.broadcast %scan3A_47 : f32 to vector<16xf32>
        %select_n3A_546 = arith.select %eq3A_536, %exp3A_224, %broadcast_in_dim3A_545 : vector<16xi1>, vector<16xf32>
        %add3A_547 = arith.addf %add3A_495, %select_n3A_546 : vector<16xf32>
        %add3A_548 = arith.constant 0 : i32
        %add3A_549 = vector.broadcast %add3A_548 : i32 to vector<16xi32>
        %add3A_550 = arith.addi %min3A_218, %add3A_549 : vector<16xi32>
        tpu.vector_store_idx %arg10[%add3A_550], %exp3A_224 masked %and3A_541 {add = true} : memref<20480xf32, #tpu.memory_space<vmem>>[vector<16xi32>], vector<16xf32>, vector<16xi1>
        %broadcast_in_dim3A_551 = vector.broadcast %scan3A_47 : f32 to vector<16xf32>
        %select_n3A_552 = arith.select %eq3A_535, %select_n3A_229, %broadcast_in_dim3A_551 : vector<16xi1>, vector<16xf32>
        %add3A_553 = arith.addf %add3A_501, %select_n3A_552 : vector<16xf32>
        %broadcast_in_dim3A_554 = vector.broadcast %scan3A_47 : f32 to vector<16xf32>
        %select_n3A_555 = arith.select %eq3A_536, %select_n3A_229, %broadcast_in_dim3A_554 : vector<16xi1>, vector<16xf32>
        %add3A_556 = arith.addf %add3A_504, %select_n3A_555 : vector<16xf32>
        %add3A_557 = arith.constant 4096 : i32
        %add3A_558 = vector.broadcast %add3A_557 : i32 to vector<16xi32>
        %add3A_559 = arith.addi %min3A_218, %add3A_558 : vector<16xi32>
        tpu.vector_store_idx %arg10[%add3A_559], %select_n3A_229 masked %and3A_541 {add = true} : memref<20480xf32, #tpu.memory_space<vmem>>[vector<16xi32>], vector<16xf32>, vector<16xi1>
        %broadcast_in_dim3A_560 = vector.broadcast %scan3A_47 : f32 to vector<16xf32>
        %select_n3A_561 = arith.select %eq3A_535, %select_n3A_233, %broadcast_in_dim3A_560 : vector<16xi1>, vector<16xf32>
        %add3A_562 = arith.addf %add3A_510, %select_n3A_561 : vector<16xf32>
        %broadcast_in_dim3A_563 = vector.broadcast %scan3A_47 : f32 to vector<16xf32>
        %select_n3A_564 = arith.select %eq3A_536, %select_n3A_233, %broadcast_in_dim3A_563 : vector<16xi1>, vector<16xf32>
        %add3A_565 = arith.addf %add3A_513, %select_n3A_564 : vector<16xf32>
        %add3A_566 = arith.constant 8192 : i32
        %add3A_567 = vector.broadcast %add3A_566 : i32 to vector<16xi32>
        %add3A_568 = arith.addi %min3A_218, %add3A_567 : vector<16xi32>
        tpu.vector_store_idx %arg10[%add3A_568], %select_n3A_233 masked %and3A_541 {add = true} : memref<20480xf32, #tpu.memory_space<vmem>>[vector<16xi32>], vector<16xf32>, vector<16xi1>
        %broadcast_in_dim3A_569 = vector.broadcast %scan3A_47 : f32 to vector<16xf32>
        %select_n3A_570 = arith.select %eq3A_535, %broadcast_in_dim3A_12, %broadcast_in_dim3A_569 : vector<16xi1>, vector<16xf32>
        %add3A_571 = arith.addf %add3A_519, %select_n3A_570 : vector<16xf32>
        %broadcast_in_dim3A_572 = vector.broadcast %scan3A_47 : f32 to vector<16xf32>
        %select_n3A_573 = arith.select %eq3A_536, %broadcast_in_dim3A_12, %broadcast_in_dim3A_572 : vector<16xi1>, vector<16xf32>
        %add3A_574 = arith.addf %add3A_522, %select_n3A_573 : vector<16xf32>
        %add3A_575 = arith.constant 12288 : i32
        %add3A_576 = vector.broadcast %add3A_575 : i32 to vector<16xi32>
        %add3A_577 = arith.addi %min3A_218, %add3A_576 : vector<16xi32>
        tpu.vector_store_idx %arg10[%add3A_577], %broadcast_in_dim3A_12 masked %and3A_541 {add = true} : memref<20480xf32, #tpu.memory_space<vmem>>[vector<16xi32>], vector<16xf32>, vector<16xi1>
        %broadcast_in_dim3A_578 = vector.broadcast %scan3A_47 : f32 to vector<16xf32>
        %select_n3A_579 = arith.select %eq3A_535, %add3A_279, %broadcast_in_dim3A_578 : vector<16xi1>, vector<16xf32>
        %add3A_580 = arith.addf %add3A_528, %select_n3A_579 : vector<16xf32>
        %broadcast_in_dim3A_581 = vector.broadcast %scan3A_47 : f32 to vector<16xf32>
        %select_n3A_582 = arith.select %eq3A_536, %add3A_279, %broadcast_in_dim3A_581 : vector<16xi1>, vector<16xf32>
        %add3A_583 = arith.addf %add3A_531, %select_n3A_582 : vector<16xf32>
        %add3A_584 = arith.constant 16384 : i32
        %add3A_585 = vector.broadcast %add3A_584 : i32 to vector<16xi32>
        %add3A_586 = arith.addi %min3A_218, %add3A_585 : vector<16xi32>
        tpu.vector_store_idx %arg10[%add3A_586], %add3A_279 masked %and3A_541 {add = true} : memref<20480xf32, #tpu.memory_space<vmem>>[vector<16xi32>], vector<16xf32>, vector<16xi1>
        %eq3A_587 = arith.cmpf oeq, %convert_element_type3A_295, %scan3A_55 : vector<16xf32>
        %eq3A_588 = arith.cmpf oeq, %convert_element_type3A_295, %gather3A_432 : vector<16xf32>
        %not3A_589 = arith.constant dense<true> : vector<16xi1>
        %not3A_590 = arith.xori %eq3A_587, %not3A_589 : vector<16xi1>
        %not3A_591 = arith.constant dense<true> : vector<16xi1>
        %not3A_592 = arith.xori %eq3A_588, %not3A_591 : vector<16xi1>
        %and3A_593 = arith.andi %not3A_590, %not3A_592 : vector<16xi1>
        %broadcast_in_dim3A_594 = vector.broadcast %scan3A_47 : f32 to vector<16xf32>
        %select_n3A_595 = arith.select %eq3A_587, %exp3A_300, %broadcast_in_dim3A_594 : vector<16xi1>, vector<16xf32>
        %add3A_596 = arith.addf %add3A_544, %select_n3A_595 : vector<16xf32>
        %broadcast_in_dim3A_597 = vector.broadcast %scan3A_47 : f32 to vector<16xf32>
        %select_n3A_598 = arith.select %eq3A_588, %exp3A_300, %broadcast_in_dim3A_597 : vector<16xi1>, vector<16xf32>
        %add3A_599 = arith.addf %add3A_547, %select_n3A_598 : vector<16xf32>
        %add3A_600 = arith.constant 0 : i32
        %add3A_601 = vector.broadcast %add3A_600 : i32 to vector<16xi32>
        %add3A_602 = arith.addi %min3A_294, %add3A_601 : vector<16xi32>
        tpu.vector_store_idx %arg10[%add3A_602], %exp3A_300 masked %and3A_593 {add = true} : memref<20480xf32, #tpu.memory_space<vmem>>[vector<16xi32>], vector<16xf32>, vector<16xi1>
        %broadcast_in_dim3A_603 = vector.broadcast %scan3A_47 : f32 to vector<16xf32>
        %select_n3A_604 = arith.select %eq3A_587, %select_n3A_305, %broadcast_in_dim3A_603 : vector<16xi1>, vector<16xf32>
        %add3A_605 = arith.addf %add3A_553, %select_n3A_604 : vector<16xf32>
        %broadcast_in_dim3A_606 = vector.broadcast %scan3A_47 : f32 to vector<16xf32>
        %select_n3A_607 = arith.select %eq3A_588, %select_n3A_305, %broadcast_in_dim3A_606 : vector<16xi1>, vector<16xf32>
        %add3A_608 = arith.addf %add3A_556, %select_n3A_607 : vector<16xf32>
        %add3A_609 = arith.constant 4096 : i32
        %add3A_610 = vector.broadcast %add3A_609 : i32 to vector<16xi32>
        %add3A_611 = arith.addi %min3A_294, %add3A_610 : vector<16xi32>
        tpu.vector_store_idx %arg10[%add3A_611], %select_n3A_305 masked %and3A_593 {add = true} : memref<20480xf32, #tpu.memory_space<vmem>>[vector<16xi32>], vector<16xf32>, vector<16xi1>
        %broadcast_in_dim3A_612 = vector.broadcast %scan3A_47 : f32 to vector<16xf32>
        %select_n3A_613 = arith.select %eq3A_587, %select_n3A_309, %broadcast_in_dim3A_612 : vector<16xi1>, vector<16xf32>
        %add3A_614 = arith.addf %add3A_562, %select_n3A_613 : vector<16xf32>
        %broadcast_in_dim3A_615 = vector.broadcast %scan3A_47 : f32 to vector<16xf32>
        %select_n3A_616 = arith.select %eq3A_588, %select_n3A_309, %broadcast_in_dim3A_615 : vector<16xi1>, vector<16xf32>
        %add3A_617 = arith.addf %add3A_565, %select_n3A_616 : vector<16xf32>
        %add3A_618 = arith.constant 8192 : i32
        %add3A_619 = vector.broadcast %add3A_618 : i32 to vector<16xi32>
        %add3A_620 = arith.addi %min3A_294, %add3A_619 : vector<16xi32>
        tpu.vector_store_idx %arg10[%add3A_620], %select_n3A_309 masked %and3A_593 {add = true} : memref<20480xf32, #tpu.memory_space<vmem>>[vector<16xi32>], vector<16xf32>, vector<16xi1>
        %broadcast_in_dim3A_621 = vector.broadcast %scan3A_47 : f32 to vector<16xf32>
        %select_n3A_622 = arith.select %eq3A_587, %broadcast_in_dim3A_12, %broadcast_in_dim3A_621 : vector<16xi1>, vector<16xf32>
        %add3A_623 = arith.addf %add3A_571, %select_n3A_622 : vector<16xf32>
        %broadcast_in_dim3A_624 = vector.broadcast %scan3A_47 : f32 to vector<16xf32>
        %select_n3A_625 = arith.select %eq3A_588, %broadcast_in_dim3A_12, %broadcast_in_dim3A_624 : vector<16xi1>, vector<16xf32>
        %add3A_626 = arith.addf %add3A_574, %select_n3A_625 : vector<16xf32>
        %add3A_627 = arith.constant 12288 : i32
        %add3A_628 = vector.broadcast %add3A_627 : i32 to vector<16xi32>
        %add3A_629 = arith.addi %min3A_294, %add3A_628 : vector<16xi32>
        tpu.vector_store_idx %arg10[%add3A_629], %broadcast_in_dim3A_12 masked %and3A_593 {add = true} : memref<20480xf32, #tpu.memory_space<vmem>>[vector<16xi32>], vector<16xf32>, vector<16xi1>
        %broadcast_in_dim3A_630 = vector.broadcast %scan3A_47 : f32 to vector<16xf32>
        %select_n3A_631 = arith.select %eq3A_587, %add3A_355, %broadcast_in_dim3A_630 : vector<16xi1>, vector<16xf32>
        %add3A_632 = arith.addf %add3A_580, %select_n3A_631 : vector<16xf32>
        %broadcast_in_dim3A_633 = vector.broadcast %scan3A_47 : f32 to vector<16xf32>
        %select_n3A_634 = arith.select %eq3A_588, %add3A_355, %broadcast_in_dim3A_633 : vector<16xi1>, vector<16xf32>
        %add3A_635 = arith.addf %add3A_583, %select_n3A_634 : vector<16xf32>
        %add3A_636 = arith.constant 16384 : i32
        %add3A_637 = vector.broadcast %add3A_636 : i32 to vector<16xi32>
        %add3A_638 = arith.addi %min3A_294, %add3A_637 : vector<16xi32>
        tpu.vector_store_idx %arg10[%add3A_638], %add3A_355 masked %and3A_593 {add = true} : memref<20480xf32, #tpu.memory_space<vmem>>[vector<16xi32>], vector<16xf32>, vector<16xi1>
        %eq3A_639 = arith.cmpf oeq, %convert_element_type3A_371, %scan3A_55 : vector<16xf32>
        %eq3A_640 = arith.cmpf oeq, %convert_element_type3A_371, %gather3A_432 : vector<16xf32>
        %not3A_641 = arith.constant dense<true> : vector<16xi1>
        %not3A_642 = arith.xori %eq3A_639, %not3A_641 : vector<16xi1>
        %not3A_643 = arith.constant dense<true> : vector<16xi1>
        %not3A_644 = arith.xori %eq3A_640, %not3A_643 : vector<16xi1>
        %and3A_645 = arith.andi %not3A_642, %not3A_644 : vector<16xi1>
        %broadcast_in_dim3A_646 = vector.broadcast %scan3A_47 : f32 to vector<16xf32>
        %select_n3A_647 = arith.select %eq3A_639, %exp3A_376, %broadcast_in_dim3A_646 : vector<16xi1>, vector<16xf32>
        %add3A_648 = arith.addf %add3A_596, %select_n3A_647 : vector<16xf32>
        %broadcast_in_dim3A_649 = vector.broadcast %scan3A_47 : f32 to vector<16xf32>
        %select_n3A_650 = arith.select %eq3A_640, %exp3A_376, %broadcast_in_dim3A_649 : vector<16xi1>, vector<16xf32>
        %add3A_651 = arith.addf %add3A_599, %select_n3A_650 : vector<16xf32>
        %add3A_652 = arith.constant 0 : i32
        %add3A_653 = vector.broadcast %add3A_652 : i32 to vector<16xi32>
        %add3A_654 = arith.addi %min3A_370, %add3A_653 : vector<16xi32>
        tpu.vector_store_idx %arg10[%add3A_654], %exp3A_376 masked %and3A_645 {add = true} : memref<20480xf32, #tpu.memory_space<vmem>>[vector<16xi32>], vector<16xf32>, vector<16xi1>
        %broadcast_in_dim3A_655 = vector.broadcast %scan3A_47 : f32 to vector<16xf32>
        %select_n3A_656 = arith.select %eq3A_639, %select_n3A_381, %broadcast_in_dim3A_655 : vector<16xi1>, vector<16xf32>
        %add3A_657 = arith.addf %add3A_605, %select_n3A_656 : vector<16xf32>
        %broadcast_in_dim3A_658 = vector.broadcast %scan3A_47 : f32 to vector<16xf32>
        %select_n3A_659 = arith.select %eq3A_640, %select_n3A_381, %broadcast_in_dim3A_658 : vector<16xi1>, vector<16xf32>
        %add3A_660 = arith.addf %add3A_608, %select_n3A_659 : vector<16xf32>
        %add3A_661 = arith.constant 4096 : i32
        %add3A_662 = vector.broadcast %add3A_661 : i32 to vector<16xi32>
        %add3A_663 = arith.addi %min3A_370, %add3A_662 : vector<16xi32>
        tpu.vector_store_idx %arg10[%add3A_663], %select_n3A_381 masked %and3A_645 {add = true} : memref<20480xf32, #tpu.memory_space<vmem>>[vector<16xi32>], vector<16xf32>, vector<16xi1>
        %broadcast_in_dim3A_664 = vector.broadcast %scan3A_47 : f32 to vector<16xf32>
        %select_n3A_665 = arith.select %eq3A_639, %select_n3A_385, %broadcast_in_dim3A_664 : vector<16xi1>, vector<16xf32>
        %add3A_666 = arith.addf %add3A_614, %select_n3A_665 : vector<16xf32>
        %broadcast_in_dim3A_667 = vector.broadcast %scan3A_47 : f32 to vector<16xf32>
        %select_n3A_668 = arith.select %eq3A_640, %select_n3A_385, %broadcast_in_dim3A_667 : vector<16xi1>, vector<16xf32>
        %add3A_669 = arith.addf %add3A_617, %select_n3A_668 : vector<16xf32>
        %add3A_670 = arith.constant 8192 : i32
        %add3A_671 = vector.broadcast %add3A_670 : i32 to vector<16xi32>
        %add3A_672 = arith.addi %min3A_370, %add3A_671 : vector<16xi32>
        tpu.vector_store_idx %arg10[%add3A_672], %select_n3A_385 masked %and3A_645 {add = true} : memref<20480xf32, #tpu.memory_space<vmem>>[vector<16xi32>], vector<16xf32>, vector<16xi1>
        %broadcast_in_dim3A_673 = vector.broadcast %scan3A_47 : f32 to vector<16xf32>
        %select_n3A_674 = arith.select %eq3A_639, %broadcast_in_dim3A_12, %broadcast_in_dim3A_673 : vector<16xi1>, vector<16xf32>
        %add3A_675 = arith.addf %add3A_623, %select_n3A_674 : vector<16xf32>
        %broadcast_in_dim3A_676 = vector.broadcast %scan3A_47 : f32 to vector<16xf32>
        %select_n3A_677 = arith.select %eq3A_640, %broadcast_in_dim3A_12, %broadcast_in_dim3A_676 : vector<16xi1>, vector<16xf32>
        %add3A_678 = arith.addf %add3A_626, %select_n3A_677 : vector<16xf32>
        %add3A_679 = arith.constant 12288 : i32
        %add3A_680 = vector.broadcast %add3A_679 : i32 to vector<16xi32>
        %add3A_681 = arith.addi %min3A_370, %add3A_680 : vector<16xi32>
        tpu.vector_store_idx %arg10[%add3A_681], %broadcast_in_dim3A_12 masked %and3A_645 {add = true} : memref<20480xf32, #tpu.memory_space<vmem>>[vector<16xi32>], vector<16xf32>, vector<16xi1>
        %broadcast_in_dim3A_682 = vector.broadcast %scan3A_47 : f32 to vector<16xf32>
        %select_n3A_683 = arith.select %eq3A_639, %add3A_431, %broadcast_in_dim3A_682 : vector<16xi1>, vector<16xf32>
        %add3A_684 = arith.addf %add3A_632, %select_n3A_683 : vector<16xf32>
        %broadcast_in_dim3A_685 = vector.broadcast %scan3A_47 : f32 to vector<16xf32>
        %select_n3A_686 = arith.select %eq3A_640, %add3A_431, %broadcast_in_dim3A_685 : vector<16xi1>, vector<16xf32>
        %add3A_687 = arith.addf %add3A_635, %select_n3A_686 : vector<16xf32>
        %add3A_688 = arith.constant 16384 : i32
        %add3A_689 = vector.broadcast %add3A_688 : i32 to vector<16xi32>
        %add3A_690 = arith.addi %min3A_370, %add3A_689 : vector<16xi32>
        tpu.vector_store_idx %arg10[%add3A_690], %add3A_431 masked %and3A_645 {add = true} : memref<20480xf32, #tpu.memory_space<vmem>>[vector<16xi32>], vector<16xf32>, vector<16xi1>
        %add3A_691 = arith.constant 0 : i32
        %add3A_692 = vector.broadcast %add3A_691 : i32 to vector<16xi32>
        %add3A_693 = arith.addi %convert_element_type3A_433, %add3A_692 : vector<16xi32>
        tpu.vector_store_idx %arg10[%add3A_693], %add3A_648 masked %ne3A {add = true} : memref<20480xf32, #tpu.memory_space<vmem>>[vector<16xi32>], vector<16xf32>, vector<16xi1>
        %select_n3A_694 = arith.select %ne3A, %add3A_651, %add3A_648 : vector<16xi1>, vector<16xf32>
        %add3A_695 = arith.constant 4096 : i32
        %add3A_696 = vector.broadcast %add3A_695 : i32 to vector<16xi32>
        %add3A_697 = arith.addi %convert_element_type3A_433, %add3A_696 : vector<16xi32>
        tpu.vector_store_idx %arg10[%add3A_697], %add3A_657 masked %ne3A {add = true} : memref<20480xf32, #tpu.memory_space<vmem>>[vector<16xi32>], vector<16xf32>, vector<16xi1>
        %select_n3A_698 = arith.select %ne3A, %add3A_660, %add3A_657 : vector<16xi1>, vector<16xf32>
        %add3A_699 = arith.constant 8192 : i32
        %add3A_700 = vector.broadcast %add3A_699 : i32 to vector<16xi32>
        %add3A_701 = arith.addi %convert_element_type3A_433, %add3A_700 : vector<16xi32>
        tpu.vector_store_idx %arg10[%add3A_701], %add3A_666 masked %ne3A {add = true} : memref<20480xf32, #tpu.memory_space<vmem>>[vector<16xi32>], vector<16xf32>, vector<16xi1>
        %select_n3A_702 = arith.select %ne3A, %add3A_669, %add3A_666 : vector<16xi1>, vector<16xf32>
        %add3A_703 = arith.constant 12288 : i32
        %add3A_704 = vector.broadcast %add3A_703 : i32 to vector<16xi32>
        %add3A_705 = arith.addi %convert_element_type3A_433, %add3A_704 : vector<16xi32>
        tpu.vector_store_idx %arg10[%add3A_705], %add3A_675 masked %ne3A {add = true} : memref<20480xf32, #tpu.memory_space<vmem>>[vector<16xi32>], vector<16xf32>, vector<16xi1>
        %select_n3A_706 = arith.select %ne3A, %add3A_678, %add3A_675 : vector<16xi1>, vector<16xf32>
        %add3A_707 = arith.constant 16384 : i32
        %add3A_708 = vector.broadcast %add3A_707 : i32 to vector<16xi32>
        %add3A_709 = arith.addi %convert_element_type3A_433, %add3A_708 : vector<16xi32>
        tpu.vector_store_idx %arg10[%add3A_709], %add3A_684 masked %ne3A {add = true} : memref<20480xf32, #tpu.memory_space<vmem>>[vector<16xi32>], vector<16xf32>, vector<16xi1>
        %select_n3A_710 = arith.select %ne3A, %add3A_687, %add3A_684 : vector<16xi1>, vector<16xf32>
        scf.yield %gather3A_432, %select_n3A_694, %select_n3A_698, %select_n3A_702, %select_n3A_706, %select_n3A_710 : vector<16xf32>, vector<16xf32>, vector<16xf32>, vector<16xf32>, vector<16xf32>, vector<16xf32>
      }
      %scan3A_53 = arith.constant 250 : i32
      scf.yield %scan3A_52#0, %scan3A_52#1, %scan3A_52#2, %scan3A_52#3, %scan3A_52#4, %scan3A_52#5 : vector<16xf32>, vector<16xf32>, vector<16xf32>, vector<16xf32>, vector<16xf32>, vector<16xf32>
    }
    %scan3A_24 = arith.constant 5 : i32
    %convert_element_type3A = arith.fptosi %scan3A_23#0 : vector<16xf32> to vector<16xi32>
    tpu.vector_store_idx %arg10[%convert_element_type3A], %scan3A_23#1 {add = true} : memref<20480xf32, #tpu.memory_space<vmem>>[vector<16xi32>], vector<16xf32>,
    %add3A_25 = arith.constant 4096 : i32
    %add3A_26 = vector.broadcast %add3A_25 : i32 to vector<16xi32>
    %add3A_27 = arith.addi %convert_element_type3A, %add3A_26 : vector<16xi32>
    tpu.vector_store_idx %arg10[%add3A_27], %scan3A_23#2 {add = true} : memref<20480xf32, #tpu.memory_space<vmem>>[vector<16xi32>], vector<16xf32>,
    %add3A_28 = arith.constant 8192 : i32
    %add3A_29 = vector.broadcast %add3A_28 : i32 to vector<16xi32>
    %add3A_30 = arith.addi %convert_element_type3A, %add3A_29 : vector<16xi32>
    tpu.vector_store_idx %arg10[%add3A_30], %scan3A_23#3 {add = true} : memref<20480xf32, #tpu.memory_space<vmem>>[vector<16xi32>], vector<16xf32>,
    %add3A_31 = arith.constant 12288 : i32
    %add3A_32 = vector.broadcast %add3A_31 : i32 to vector<16xi32>
    %add3A_33 = arith.addi %convert_element_type3A, %add3A_32 : vector<16xi32>
    tpu.vector_store_idx %arg10[%add3A_33], %scan3A_23#4 {add = true} : memref<20480xf32, #tpu.memory_space<vmem>>[vector<16xi32>], vector<16xf32>,
    %add3A_34 = arith.constant 16384 : i32
    %add3A_35 = vector.broadcast %add3A_34 : i32 to vector<16xi32>
    %add3A_36 = arith.addi %convert_element_type3A, %add3A_35 : vector<16xi32>
    tpu.vector_store_idx %arg10[%add3A_36], %scan3A_23#5 {add = true} : memref<20480xf32, #tpu.memory_space<vmem>>[vector<16xi32>], vector<16xf32>,
    "tpu.region"() ({
      %run_scoped3A = tpu.sem_alloc : memref<!tpu.dma_semaphore, #tpu.memory_space<semaphore_mem>>
      %dma_start3A = arith.constant 0 : i32
      %dma_start3A_37 = tpu.memref_slice %arg6[%add3A, %dma_start3A] : memref<32x20480xf32, #tpu.memory_space<hbm>> -> memref<1x20480xf32, #tpu.memory_space<hbm>>
      %dma_start3A_38 = tpu.memref_squeeze %dma_start3A_37 : memref<1x20480xf32, #tpu.memory_space<hbm>> -> memref<20480xf32, #tpu.memory_space<hbm>>
      %dma_start3A_39 = arith.constant 0 : i32
      %dma_start3A_40 = tpu.memref_slice %arg6[%add3A, %dma_start3A_39] : memref<32x20480xf32, #tpu.memory_space<hbm>> -> memref<1x20480xf32, #tpu.memory_space<hbm>>
      %dma_start3A_41 = tpu.memref_squeeze %dma_start3A_40 : memref<1x20480xf32, #tpu.memory_space<hbm>> -> memref<20480xf32, #tpu.memory_space<hbm>>
      tpu.enqueue_dma source(%arg10 : memref<20480xf32, #tpu.memory_space<vmem>>) target(%dma_start3A_41 : memref<20480xf32, #tpu.memory_space<hbm>>) target_semaphore(%run_scoped3A : memref<!tpu.dma_semaphore, #tpu.memory_space<semaphore_mem>>)
      %dma_wait3A = arith.constant 0 : i32
      %dma_wait3A_42 = tpu.memref_slice %arg6[%add3A, %dma_wait3A] : memref<32x20480xf32, #tpu.memory_space<hbm>> -> memref<1x20480xf32, #tpu.memory_space<hbm>>
      %dma_wait3A_43 = tpu.memref_squeeze %dma_wait3A_42 : memref<1x20480xf32, #tpu.memory_space<hbm>> -> memref<20480xf32, #tpu.memory_space<hbm>>
      %dma_wait3A_44 = arith.constant 0 : i32
      %dma_wait3A_45 = tpu.memref_slice %arg6[%add3A, %dma_wait3A_44] : memref<32x20480xf32, #tpu.memory_space<hbm>> -> memref<1x20480xf32, #tpu.memory_space<hbm>>
      %dma_wait3A_46 = tpu.memref_squeeze %dma_wait3A_45 : memref<1x20480xf32, #tpu.memory_space<hbm>> -> memref<20480xf32, #tpu.memory_space<hbm>>
      tpu.wait_dma2 semaphore(%run_scoped3A : memref<!tpu.dma_semaphore, #tpu.memory_space<semaphore_mem>>) src(%arg10 : memref<20480xf32, #tpu.memory_space<vmem>>) dst(%dma_wait3A_46 : memref<20480xf32, #tpu.memory_space<hbm>>)
      tpu.yield
    }) : () -> ()
    return
  }
}

module attributes {stable_mosaic.version = 14 : i64} {
  func.func @_max_body(%arg0: memref<1000x3200xf32, #tpu.memory_space<vmem>>, %arg1: memref<1x1xf32, #tpu.memory_space<smem>>) attributes {dimension_semantics = [], scalar_prefetch = 0 : i64, scratch_operands = 0 : i64, tpu.core_type = #tpu.core_type<tc>} {
    %get3A = arith.constant 0 : index
    %get3A_0 = arith.constant 0 : index
    %get3A_1 = vector.load %arg0[%get3A, %get3A_0] : memref<1000x3200xf32, #tpu.memory_space<vmem>>, vector<1000x3200xf32>
    %reduce_max3A = vector.shape_cast %get3A_1 : vector<1000x3200xf32> to vector<1x1000x3200xf32>
    %reduce_max3A_2 = arith.constant dense<0xFF800000> : vector<1xf32>
    %reduce_max3A_3 = vector.multi_reduction <maximumf>, %reduce_max3A, %reduce_max3A_2 [1, 2] : vector<1x1000x3200xf32> to vector<1xf32>
    %reduce_max3A_4 = vector.shape_cast %reduce_max3A_3 : vector<1xf32> to vector<1x1x1xf32>
    %reduce_max3A_5 = vector.extract %reduce_max3A_4[0, 0, 0] : f32 from vector<1x1x1xf32>
    %swap3A = arith.constant 0 : index
    %swap3A_6 = arith.constant 0 : index
    %swap3A_7 = memref.load %arg1[%swap3A, %swap3A_6] : memref<1x1xf32, #tpu.memory_space<smem>>
    memref.store %reduce_max3A_5, %arg1[%swap3A, %swap3A_6] : memref<1x1xf32, #tpu.memory_space<smem>>
    return
  }
}

module attributes {stable_mosaic.version = 14 : i64} {
  func.func @_finish_body(%arg0: memref<32x10x2048xf32, #tpu.memory_space<vmem>>, %arg1: memref<1x1xf32, #tpu.memory_space<smem>>) attributes {dimension_semantics = [], scalar_prefetch = 0 : i64, scratch_operands = 0 : i64, tpu.core_type = #tpu.core_type<tc>} {
    %get3A = arith.constant 0 : index
    %get3A_0 = arith.constant 0 : index
    %get3A_1 = arith.constant 0 : index
    %get3A_2 = vector.load %arg0[%get3A, %get3A_0, %get3A_1] : memref<32x10x2048xf32, #tpu.memory_space<vmem>>, vector<32x10x2048xf32>
    %reduce_sum3A = arith.constant dense<0.000000e+00> : vector<10x2048xf32>
    %reduce_sum3A_3 = vector.multi_reduction <add>, %get3A_2, %reduce_sum3A [0] : vector<32x10x2048xf32> to vector<10x2048xf32>
    %slice3A = vector.extract_strided_slice %reduce_sum3A_3 {offsets = [0, 0], sizes = [2, 2048], strides = [1, 1]} : vector<10x2048xf32> to vector<2x2048xf32>
    %slice3A_4 = vector.extract_strided_slice %reduce_sum3A_3 {offsets = [2, 0], sizes = [2, 2048], strides = [1, 1]} : vector<10x2048xf32> to vector<2x2048xf32>
    %slice3A_5 = vector.extract_strided_slice %reduce_sum3A_3 {offsets = [4, 0], sizes = [2, 2048], strides = [1, 1]} : vector<10x2048xf32> to vector<2x2048xf32>
    %slice3A_6 = vector.extract_strided_slice %reduce_sum3A_3 {offsets = [6, 0], sizes = [2, 2048], strides = [1, 1]} : vector<10x2048xf32> to vector<2x2048xf32>
    %slice3A_7 = vector.extract_strided_slice %reduce_sum3A_3 {offsets = [8, 0], sizes = [2, 2048], strides = [1, 1]} : vector<10x2048xf32> to vector<2x2048xf32>
    %gt3A = arith.constant 0.000000e+00 : f32
    %gt3A_8 = vector.broadcast %gt3A : f32 to vector<2x2048xf32>
    %gt3A_9 = arith.cmpf ogt, %slice3A_5, %gt3A_8 : vector<2x2048xf32>
    %sub3A = arith.subf %slice3A_6, %slice3A_5 : vector<2x2048xf32>
    %gt3A_10 = arith.constant 0.000000e+00 : f32
    %gt3A_11 = vector.broadcast %gt3A_10 : f32 to vector<2x2048xf32>
    %gt3A_12 = arith.cmpf ogt, %sub3A, %gt3A_11 : vector<2x2048xf32>
    %and3A = arith.andi %gt3A_9, %gt3A_12 : vector<2x2048xi1>
    %log3A = math.log %slice3A : vector<2x2048xf32>
    %log3A_13 = math.log %slice3A_4 : vector<2x2048xf32>
    %sub3A_14 = arith.subf %log3A, %log3A_13 : vector<2x2048xf32>
    %jit3A = arith.constant 0.000000e+00 : f32
    %broadcast_in_dim3A = vector.broadcast %jit3A : f32 to vector<2x2048xf32>
    %select_n3A = arith.select %and3A, %sub3A_14, %broadcast_in_dim3A : vector<2x2048xi1>, vector<2x2048xf32>
    %convert_element_type3A = arith.extui %and3A : vector<2x2048xi1> to vector<2x2048xi32>
    %convert_element_type3A_15 = arith.sitofp %convert_element_type3A : vector<2x2048xi32> to vector<2x2048xf32>
    %reduce_sum3A_16 = vector.shape_cast %convert_element_type3A_15 : vector<2x2048xf32> to vector<1x2x2048xf32>
    %reduce_sum3A_17 = arith.constant dense<0.000000e+00> : vector<1xf32>
    %reduce_sum3A_18 = vector.multi_reduction <add>, %reduce_sum3A_16, %reduce_sum3A_17 [1, 2] : vector<1x2x2048xf32> to vector<1xf32>
    %reduce_sum3A_19 = vector.shape_cast %reduce_sum3A_18 : vector<1xf32> to vector<1x1x1xf32>
    %reduce_sum3A_20 = vector.extract %reduce_sum3A_19[0, 0, 0] : f32 from vector<1x1x1xf32>
    %max3A = arith.constant 1.000000e+00 : f32
    %max3A_21 = arith.maximumf %reduce_sum3A_20, %max3A : f32
    %reduce_sum3A_22 = vector.shape_cast %select_n3A : vector<2x2048xf32> to vector<1x2x2048xf32>
    %reduce_sum3A_23 = arith.constant dense<0.000000e+00> : vector<1xf32>
    %reduce_sum3A_24 = vector.multi_reduction <add>, %reduce_sum3A_22, %reduce_sum3A_23 [1, 2] : vector<1x2x2048xf32> to vector<1xf32>
    %reduce_sum3A_25 = vector.shape_cast %reduce_sum3A_24 : vector<1xf32> to vector<1x1x1xf32>
    %reduce_sum3A_26 = vector.extract %reduce_sum3A_25[0, 0, 0] : f32 from vector<1x1x1xf32>
    %div3A = arith.divf %reduce_sum3A_26, %max3A_21 : f32
    %gt3A_27 = arith.constant 0.000000e+00 : f32
    %gt3A_28 = vector.broadcast %gt3A_27 : f32 to vector<2x2048xf32>
    %gt3A_29 = arith.cmpf ogt, %slice3A_6, %gt3A_28 : vector<2x2048xf32>
    %max3A_30 = arith.constant 1.000000e+00 : f32
    %max3A_31 = vector.broadcast %max3A_30 : f32 to vector<2x2048xf32>
    %max3A_32 = arith.maximumf %slice3A_6, %max3A_31 : vector<2x2048xf32>
    %div3A_33 = arith.divf %slice3A_7, %max3A_32 : vector<2x2048xf32>
    %jit3A_34 = arith.constant 0.000000e+00 : f32
    %broadcast_in_dim3A_35 = vector.broadcast %jit3A_34 : f32 to vector<2x2048xf32>
    %select_n3A_36 = arith.select %gt3A_29, %div3A_33, %broadcast_in_dim3A_35 : vector<2x2048xi1>, vector<2x2048xf32>
    %convert_element_type3A_37 = arith.extui %gt3A_29 : vector<2x2048xi1> to vector<2x2048xi32>
    %convert_element_type3A_38 = arith.sitofp %convert_element_type3A_37 : vector<2x2048xi32> to vector<2x2048xf32>
    %reduce_sum3A_39 = vector.shape_cast %convert_element_type3A_38 : vector<2x2048xf32> to vector<1x2x2048xf32>
    %reduce_sum3A_40 = arith.constant dense<0.000000e+00> : vector<1xf32>
    %reduce_sum3A_41 = vector.multi_reduction <add>, %reduce_sum3A_39, %reduce_sum3A_40 [1, 2] : vector<1x2x2048xf32> to vector<1xf32>
    %reduce_sum3A_42 = vector.shape_cast %reduce_sum3A_41 : vector<1xf32> to vector<1x1x1xf32>
    %reduce_sum3A_43 = vector.extract %reduce_sum3A_42[0, 0, 0] : f32 from vector<1x1x1xf32>
    %max3A_44 = arith.constant 1.000000e+00 : f32
    %max3A_45 = arith.maximumf %reduce_sum3A_43, %max3A_44 : f32
    %reduce_sum3A_46 = vector.shape_cast %select_n3A_36 : vector<2x2048xf32> to vector<1x2x2048xf32>
    %reduce_sum3A_47 = arith.constant dense<0.000000e+00> : vector<1xf32>
    %reduce_sum3A_48 = vector.multi_reduction <add>, %reduce_sum3A_46, %reduce_sum3A_47 [1, 2] : vector<1x2x2048xf32> to vector<1xf32>
    %reduce_sum3A_49 = vector.shape_cast %reduce_sum3A_48 : vector<1xf32> to vector<1x1x1xf32>
    %reduce_sum3A_50 = vector.extract %reduce_sum3A_49[0, 0, 0] : f32 from vector<1x1x1xf32>
    %div3A_51 = arith.divf %reduce_sum3A_50, %max3A_45 : f32
    %mul3A = arith.constant 1.000000e+00 : f32
    %mul3A_52 = arith.mulf %mul3A, %div3A : f32
    %mul3A_53 = arith.constant 5.000000e-01 : f32
    %mul3A_54 = arith.mulf %mul3A_53, %div3A_51 : f32
    %add3A = arith.addf %mul3A_52, %mul3A_54 : f32
    %swap3A = arith.constant 0 : index
    %swap3A_55 = arith.constant 0 : index
    %swap3A_56 = memref.load %arg1[%swap3A, %swap3A_55] : memref<1x1xf32, #tpu.memory_space<smem>>
    memref.store %add3A, %arg1[%swap3A, %swap3A_55] : memref<1x1xf32, #tpu.memory_space<smem>>
    return
  }
}

</mosaic_0001>

<sc_bundles>
// kernel: kernel.5.cloned.1.call-start
scs
__scs_entry_jumppad:
0x0: {  	(pc) =	sbr.rel $0x88, $3  }
0x1: {  	(tag) =	ssettag $0x0;
	lr =	simm.s32 $0x1  }
0x2: {  	[smem:$0x3F9E] =	sst lr;
	_ =	strace $0xD0000000  }
0x3: {  	_ = 	snop  }
0x4: {  	_ = 	snop  }
0x5: {  	_ = 	snop  }
0x6: {  	_ = 	snop  }
0x7: {  	_ = 	snop  }
__scs_overlays_trampoline_lowered:
0x8: {  	[smem:$0x3FAD] =	sst s0  }
0x9: {  	[smem:$0x3FAE] =	sst s1  }
0xa: {  	[smem:$0x3FAF] =	sst s2  }
0xb: {  	[smem:$0x3FB0] =	sst s3  }
0xc: {  	[smem:$0x3FB1] =	sst s4  }
0xd: {  	[smem:$0x3FB2] =	sst s5  }
0xe: {  	[smem:$0x3FB3] =	sst s6  }
0xf: {  	[smem:$0x3FB4] =	sst s7  }
0x10: {  	[smem:$0x3FB5] =	sst s8  }
0x11: {  	[smem:$0x3FB6] =	sst s9;
	s0 =	simm.s32 @!p0 $0x0  }
0x12: {  	s1 =	sld [smem:$0x3F9C];
	s0 =	simm.s32 @p0 $0x1  }
0x13: {  	[smem:$0x3FB7] =	sst s0;
	s0 =	simm.s32 @!p1 $0x0  }
0x14: {  	s2 =	sld [smem:$0x3F9B];
	s0 =	simm.s32 @p1 $0x1  }
0x15: {  	[smem:$0x3FB8] =	sst s0;
	s0 =	simm.s32 @!p2 $0x0  }
0x16: {  	s3 =	sld [smem:$0x3FDB];
	s0 =	simm.s32 @p2 $0x1  }
0x17: {  	s4 =	simm.s32 $0x1BF5;
	[smem:$0x3FBA] =	sst s0  }
0x18: {  	s0 =	sld [smem:$0x3F9D];
	_ =	swait.ge [sflag:s4], $0x0  }
0x19: {  	s7 =	sld [smem:$0x3F9E]  }
0x1a: {  	s8 =	sadd.s32 $0xFFFFE003, lr  }
0x1b: {  	s9 =	sadd.s32 $0xFFFFFEF7, lr;
	s5 =	simm.s32 $0xFFFFFFFF;
	p2 =	slt.u32 s8, $0xFFFFF086  }
0x1c: {  	p1 =	slt.u32 s9, $0xF7A;
	s5 =	simm.s32 @!p2 $0x0  }
0x1d: {  	s5 =	simm.s32 @p1 $0x1;
	p0 =	seq.s32 s7, s2  }
0x1e: {  	s7 =	smul.u32 @!p0 $0xF7A, s2;
	p2 =	seq.s32 @!p0 s5, $0x0  }
0x1f: {  	s9 =	smul.u32 $0xF7A, s1;
	s8 =	simm.s32 @!p0 $0x1BF5;
	p2 =	por !p2, p0  }
0x20: {  	[sflag:s8] =	ssyncset.s32 @!p0 $0xFFFFF086;
	s6 =	sadd.s32 @!p0 s3, s7;
	s7 =	simm.s32 @!p0 $0x108  }
0x21: {  	s3 =	sadd.s32 s3, s9;
	s6 =	sadd.s32 @!p0 $0x88, s6;
	s7 =	simm.s32 @p2 $0x1082  }
0x22: {  	[simem:s7], [sflag:s8] =	dma.local @!p0 [hbm:s6], $0xF7A  }
0x23: {  	s9 =	sor.u32 $0xD0000000, s2;
	s6 =	simm.s32 $0x108;
	_ =	swait.ge @!p0 [sflag:s8], $0x0  }
0x24: {  	s3 =	sadd.s32 $0x88, s3;
	s6 =	simm.s32 @!p1 $0x1082;
	[sflag:s4] =	ssyncset.s32 $0xFFFFF086  }
0x25: {  	[simem:s6], [sflag:s4] =	dma.local [hbm:s3], $0xF7A  }
0x26: {  	[smem:$0x3F9E] =	sst s1;
	(tag) =	ssettag s2;
	_ =	strace s9  }
0x27: {  	s1 =	sld [smem:$0x3FAE]  }
0x28: {  	s2 =	sld [smem:$0x3FAF]  }
0x29: {  	s4 =	sld [smem:$0x3FB1]  }
0x2a: {  	p0 =	seq.s32 s5, $0x0;
	s5 =	sld [smem:$0x3FB2]  }
0x2b: {  	s6 =	sld [smem:$0x3FB3]  }
0x2c: {  	s7 =	sld [smem:$0x3FB4]  }
0x2d: {  	s3 =	simm.s32 $0x108;
	s8 =	sld [smem:$0x3FB5]  }
0x2e: {  	s3 =	simm.s32 @!p0 $0x1082;
	s9 =	sld [smem:$0x3FB6]  }
0x2f: {  	lr =	sadd.s32 s0, s3;
	s0 =	sld [smem:$0x3FAD]  }
0x30: {  	s3 =	sld [smem:$0x3FB0]  }
0x31: {  	[smem:$0x3FB9] =	sst s10  }
0x32: {  	s10 =	sld [smem:$0x3FB7];
	_ =	sdelay $0x3  }
0x33: {  	p0 =	seq.s32 s10, $0x1;
	s10 =	sld [smem:$0x3FB9];
	_ =	sdelay $0x3  }
0x34: {  	[smem:$0x3FB9] =	sst s10  }
0x35: {  	s10 =	sld [smem:$0x3FB8];
	_ =	sdelay $0x3  }
0x36: {  	p1 =	seq.s32 s10, $0x1;
	s10 =	sld [smem:$0x3FB9];
	_ =	sdelay $0x3  }
0x37: {  	[smem:$0x3FB9] =	sst s10  }
0x38: {  	s10 =	sld [smem:$0x3FBA]  }
0x39: {  	_ = 	snop;
	(pc) =	sbr.ind lr, $3  }
0x3a: {  	_ = 	snop  }
0x3b: {  	_ = 	snop  }
0x3c: {  	p2 =	seq.s32 s10, $0x1;
	s10 =	sld [smem:$0x3FB9]  }
0x3d: {  	_ =	shalt  }
0x3e: {  	_ =	shalt  }
0x3f: {  	_ =	shalt  }
0x40: {  	_ =	shalt  }
0x41: {  	_ =	shalt  }
0x42: {  	_ =	shalt  }
0x43: {  	_ =	shalt  }
0x44: {  	_ =	shalt  }
0x45: {  	_ =	shalt  }
0x46: {  	_ =	shalt  }
0x47: {  	_ =	shalt  }
0x48: {  	_ =	shalt  }
0x49: {  	_ =	shalt  }
0x4a: {  	_ =	shalt  }
0x4b: {  	_ =	shalt  }
0x4c: {  	_ =	shalt  }
0x4d: {  	_ =	shalt  }
0x4e: {  	_ =	shalt  }
0x4f: {  	_ =	shalt  }
0x50: {  	_ =	shalt  }
0x51: {  	_ =	shalt  }
0x52: {  	_ =	shalt  }
0x53: {  	_ =	shalt  }
0x54: {  	_ =	shalt  }
0x55: {  	_ =	shalt  }
0x56: {  	_ =	shalt  }
0x57: {  	_ =	shalt  }
0x58: {  	_ =	shalt  }
0x59: {  	_ =	shalt  }
0x5a: {  	_ =	shalt  }
0x5b: {  	_ =	shalt  }
0x5c: {  	_ =	shalt  }
0x5d: {  	_ =	shalt  }
0x5e: {  	_ =	shalt  }
0x5f: {  	_ =	shalt  }
0x60: {  	_ =	shalt  }
0x61: {  	_ =	shalt  }
0x62: {  	_ =	shalt  }
0x63: {  	_ =	shalt  }
0x64: {  	_ =	shalt  }
0x65: {  	_ =	shalt  }
0x66: {  	_ =	shalt  }
0x67: {  	_ =	shalt  }
0x68: {  	_ =	shalt  }
0x69: {  	_ =	shalt  }
0x6a: {  	_ =	shalt  }
0x6b: {  	_ =	shalt  }
0x6c: {  	_ =	shalt  }
0x6d: {  	_ =	shalt  }
0x6e: {  	_ =	shalt  }
0x6f: {  	_ =	shalt  }
0x70: {  	_ =	shalt  }
0x71: {  	_ =	shalt  }
0x72: {  	_ =	shalt  }
0x73: {  	_ =	shalt  }
0x74: {  	_ =	shalt  }
0x75: {  	_ =	shalt  }
0x76: {  	_ =	shalt  }
0x77: {  	_ =	shalt  }
0x78: {  	_ =	shalt  }
0x79: {  	_ =	shalt  }
0x7a: {  	_ =	shalt  }
0x7b: {  	_ =	shalt  }
0x7c: {  	_ =	shalt  }
0x7d: {  	_ =	shalt  }
0x7e: {  	_ =	shalt  }
0x7f: {  	_ =	shalt  }
0x80: {  	_ =	shalt  }
0x81: {  	_ =	shalt  }
0x82: {  	_ =	shalt  }
0x83: {  	_ =	shalt  }
0x84: {  	_ =	shalt  }
0x85: {  	_ =	shalt  }
0x86: {  	_ =	shalt  }
0x87: {  	_ =	shalt  }
.Lfunc_end0:
.L_simem_size_0:
called_computation_lowered:
.L_overlay_start_0:
0x88: {  	s2 =	sld [smem:$0x3FD9]  }
0x89: {  	s3 =	sld [smem:$0x3FFE];
	_ =	sdelay $0x1  }
0x8a: {  	s1 =	srdreg.scid  }
0x8b: {  	s0 =	sand.u32 $0x1, s1  }
0x8c: {  	s17 =	sshll.u32 s0, $0xA;
	s2 =	sadd.s32 s3, s2  }
0x8d: {  	s2 =	sadd.s32 s2, s17  }
0x8e: {  	[smem:$0x3FC5] =	sst s2  }
0x8f: {  	_ = 	snop  }
0x90: {  	s2 =	sld [smem:$0x3FC9]  }
0x91: {  	s18 =	sld [smem:$0x3FC8]  }
0x92: {  	s4 =	sld [smem:$0x3FC7];
	(tm) =	ssettm $0x1  }
0x93: {  	s5 =	sld [smem:$0x3FFB];
	_ =	sdelay $0x3  }
0x94: {  	_ =	strace s5  }
0x95: {  	s5 =	sld [smem:$0x3FFC];
	_ =	sdelay $0x3  }
0x96: {  	_ =	strace s5  }
0x97: {  	s5 =	sld [smem:$0x3FFD];
	_ =	sdelay $0x3  }
0x98: {  	_ =	strace s5  }
0x99: {  	_ =	strace $0x8FFFFFFF  }
0x9a: {  	s19 =	sld [smem:$0x3FDB];
	_ =	sdelay $0x1  }
0x9b: {  	s6 =	simm.s32 $_scs_section_size  }
0x9c: {  	s7 =	simm.s32 $_size__tile_overlayer_lowered;
	s8 =	simm.s32 $_tile_overlayer_lowered  }
0x9d: {  	s22 =	simm.s32 $0x1BFF;
	s21 =	sshll.u32 s8, $0x1;
	s5 =	sadd.s32 s6, s19  }
0x9e: {  	s9 =	simm.s32 $0x0;
	s20 =	sshll.u32 s7, $0x1;
	s7 =	sadd.s32 s21, s5  }
0x9f: {  	[timem:s9], [sflag:s22] =	dma.local [hbm:s7], s20  }
0xa0: {  	_ =	swait.ge [sflag:s22], s20  }
0xa1: {  	s6 =	ssub.s32 $0x0, s20;
	[sflag:s22] =	ssyncset.done $0x0  }
0xa2: {  	[sflag:s22] =	ssyncadd.s32 s6;
	_ =	sdelay $0x1  }
0xa3: {  	s23 =	simm.s32 $0x1B8B  }
0xa4: {  	_ =	swait.ge [sflag:s23], $0x1  }
0xa5: {  	[sflag:s23] =	ssyncset.done $0x0  }
0xa6: {  	s25 =	simm.s32 $0x1B8E;
	s24 =	sld [smem:$0x3FFE];
	[sflag:s23] =	ssyncadd.s32 $0xFFFFFFFF  }
0xa7: {  	s26 =	simm.s32 $execute0_lowered;
	[smem:$0x3FD2] =	sst s25  }
0xa8: {  	s7 =	sshll.u32 s26, $0x1;
	_ =	strace $0x80000046;
	[dreg:$0x1] =	wrdreg $0xFFFFFFFF  }
0xa9: {  	s28 =	simm.s32 $_size_execute0_lowered;
	s5 =	sadd.s32 s5, s7;
	[dreg:$0x0] =	wrdreg $0x0  }
0xaa: {  	s7 =	sshll.u32 s28, $0x1;
	[dreg:$0x2] =	wrdreg s5  }
0xab: {  	[dreg:$0x3] =	wrdreg s7  }
0xac: {  	[dreg:$0x4] =	wrdreg $0xC0  }
0xad: {  	_ =	task [dreg:s9], $0x5FFFF  }
0xae: {  	[dreg:$0x1] =	wrdreg $0xFFFFFFFF  }
0xaf: {  	[dreg:$0x0] =	wrdreg $0x60  }
0xb0: {  	[dreg:$0x2] =	wrdreg s2  }
0xb1: {  	[dreg:$0x3] =	wrdreg s18  }
0xb2: {  	[dreg:$0x4] =	wrdreg s4  }
0xb3: {  	[dreg:$0x5] =	wrdreg s24  }
0xb4: {  	[dreg:$0x6] =	wrdreg $0x9  }
0xb5: {  	_ =	task.clear_ibuf [dreg:s9], $0x7FFFF;
	_ =	strace $0x90000046  }
0xb6: {  	s29 =	simm.s32 $0x9;
	_ =	strace $0x80000048  }
0xb7: {  	_ =	swait.ge [sflag:s29], $0x1  }
0xb8: {  	[sflag:s29] =	ssyncadd.s32 $0xFFFFFFFF  }
0xb9: {  	_ =	strace $0x90000048  }
0xba: {  	_ =	sfence  }
0xbb: {  	s30 =	sld [smem:$0x0];
	_ =	sdelay $0x2  }
0xbc: {  	s31 =	sshll.u32 s1, $0xD;
	s1 =	sshrl.u32 s1, $0x2  }
0xbd: {  	s3 =	sand.u32 $0x4000, s31;
	s1 =	sadd.s32 s1, s30  }
0xbe: {  	s0 =	sor.u32 s3, s0;
	s1 =	sshll.u32 s1, $0x11  }
0xbf: {  	s0 =	sor.u32 s1, s0  }
0xc0: {  	s0 =	sadd.s32 $0x8F2B, s0  }
0xc1: {  	[sflag:s0] =	ssyncadd.remote.s32 $0x1  }
0xc2: {  	_ =	sfence.sel $0xFFFF  }
0xc3: {  	[dreg:$0x0] =	wrdreg $0xFFFFFFFF;
	(pc) =	sbr.abs _section_cstart, $3  }
0xc4: {  	[dreg:$0x1] =	wrdreg $0xFFFFFFFF  }
0xc5: {  	_ =	task.clear_ibuf [dreg:s9], $0x2FFFF;
	_ =	strace $0x9FFFFFFF  }
0xc6: {  	(tm) =	ssettm $0x7FFFFFFF  }
0xc7: {  	_ =	shalt  }
tec
execute0_lowered:
.L_overlay_start_1:
0x0: {  	(tag) =	ssettag $0x1  }
0x1: {  	s1 =	rddreg [dreg:$0x0]  }
0x2: {  	s2 =	rddreg [dreg:$0x1]  }
0x3: {  	s4 =	rddreg [dreg:$0x2];
	s3 =	srdreg.scid  }
0x4: {  	s0 =	stileid.u32;
	s7 =	rddreg [dreg:$0x3];
	s12 =	simm.s32 $0x4E80  }
0x5: {  	s13 =	simm.s32 $0x9D00;
	s14 =	simm.s32 $0xEB80;
	s15 =	simm.s32 $0x80  }
0x6: {  	s16 =	simm.s32 $0x400;
	s6 =	sand.u32 $0x1, s3;
	s5 =	sshll.u32 s0, $0x1  }
0x7: {  	s3 =	rddreg [dreg:$0x4];
	s9 =	sshrl.u32 s0, $0x2;
	s8 =	sor.u32 s6, s5  }
0x8: {  	s5 =	simm.s32 $0x0;
	s9 =	smul.u32 $0x28000, s9;
	s10 =	sshll.u32 s8, $0x7  }
0x9: {  	s31 =	ssub.s32 $0x2, s6;
	s6 =	sadd.s32 $0x400, s7;
	s10 =	sand.u32 $0x380, s10  }
0xa: {  	[smem:$0x7FF] =	sst s5;
	s11 =	sshrl.u32 s31, $0x1;
	s9 =	sor.u32 s9, s10  }
0xb: {  	_ =	strace $0x80000047;
	s10 =	ssub.s32 s31, s11;
	s9 =	sshrl.u32 s9, $0x3  }
0xc: {  	s11 =	simm.s32 $0x1;
	s9 =	sadd.s32 s9, s7;
	s7 =	smul.u32 $0x186A0, s8  }
0xd: {  	v0 =	vimm.f32 $0.0e+00;
	v1 =	vimm.f32 $1.000000000e+00;
	v2 =	vimm.s32 $0xF;
	s8 =	sadd.s32 $0x600, s9;
	s9 =	smax.u32 s10, $0x1;
	s10 =	simm.s32 $0x13B80  }
.LBB2_1:
0xe: {  	s17 =	simm.s32 $0x40;
	s18 =	simm.s32 $0x0  }
.LBB2_2:
0xf: {  	p0 =	sne.s32 s17, $0x13FC0;
	[tilespmem:s18+$0xEB80] =	vst v0;
	s18 =	smov.u32 s17;
	s17 =	sadd.s32 $0x40, s17  }
.Ltmp0:
0x10: {  	(pc) =	sbr.rel @p0 .LBB2_2-.Ltmp0, $2  }
0x11: {  	_ =	sdelay $0x2  }
0x12: {  	s18 =	sshra.s32 s18, $0x2  }
0x13: {  	[tilespmem:s18+$0xEB80] =	vst v0;
	s17 =	simm.s32 $0x0  }
0x14: {  	[tilespmem:s10], [sflag:$0x1] =	stream.linear.gather [hbm4b:s6+s17], $0x80, $0x38;
	[tilespmem:$0x13C00] =	vst v63  }
0x15: {  	_ =	swait.ge [sflag:s11], $0x80  }
0x16: {  	[sflag:s11] =	ssyncset.done $0x0  }
0x17: {  	v4 =	vimm.f32 $0.0e+00;
	v5 =	vimm.f32 $0.0e+00;
	v6 =	vimm.f32 $0.0e+00;
	[sflag:s11] =	ssyncadd.s32 $0xFFFFFF80  }
0x18: {  	v7 =	vimm.f32 $0.0e+00;
	v8 =	vimm.f32 $0.0e+00;
	v10 =	vimm.f32 $0.0e+00;
	s18 =	simm.s32 $0x0;
	v3 =	vld [tilespmem:$0x13B80]  }
.LBB2_4:
0x19: {  	s19 =	smul.u32 $0x4E20, s18;
	_ =	sdelay $0x1  }
0x1a: {  	s19 =	sadd.s32 s7, s19  }
0x1b: {  	s19 =	sshrl.u32 s19, $0x3  }
0x1c: {  	s20 =	sadd.s32 s1, s19  }
0x1d: {  	[tilespmem:s17], [sflag:$0x1] =	stream.linear.gather [hbm4b:s20+s17], $0x4E20, $0x38;
	[tilespmem:$0x13C00] =	vst v63  }
0x1e: {  	_ =	swait.ge [sflag:s11], $0x4E20  }
0x1f: {  	[sflag:s11] =	ssyncset.done $0x0  }
0x20: {  	s31 =	sadd.s32 s2, s19;
	[sflag:s11] =	ssyncadd.s32 $0xFFFFB1E0  }
0x21: {  	[tilespmem:s12], [sflag:$0x1] =	stream.linear.gather [hbm4b:s31+s17], $0x4E20, $0x38;
	[tilespmem:$0x13C00] =	vst v63  }
0x22: {  	_ =	swait.ge [sflag:s11], $0x4E20  }
0x23: {  	[sflag:s11] =	ssyncset.done $0x0  }
0x24: {  	s19 =	sadd.s32 s4, s19;
	[sflag:s11] =	ssyncadd.s32 $0xFFFFB1E0  }
0x25: {  	[tilespmem:s13], [sflag:$0x1] =	stream.linear.gather [hbm4b:s19+s17], $0x4E20, $0x38;
	[tilespmem:$0x13C00] =	vst v63  }
0x26: {  	_ =	swait.ge [sflag:s11], $0x4E20  }
0x27: {  	[sflag:s11] =	ssyncset.done $0x0  }
0x28: {  	s19 =	simm.s32 $0x0;
	[sflag:s11] =	ssyncadd.s32 $0xFFFFB1E0  }
.LBB2_5:
0x29: {  	s20 =	sshra.s32 s19, $0x2  }
0x2a: {  	v16 =	vld [tilespmem:s20+$0x0];
	_ =	sdelay $0x4  }
0x2b: {  	v9 =	vmul.f32 $1.428571410e+01, v16;
	_ =	sdelay $0x1  }
0x2c: {  	v11 =	vand.u32 $0x7FFFFFFF, v16;
	v9 =	vsub.f32 v9, v3  }
0x2d: {  	v11 =	vsub.f32 $0.0e+00, v11  }
0x2e: {  	v9 =	vmul.f32 $1.442695020e+00, v9  }
0x2f: {  	v24 =	vld [tilespmem:s20+$0x10];
	v11 =	vmul.f32 $1.442695020e+00, v11  }
0x30: {  	(erf) = vpow2.f32 v9  }
0x31: {  	(erf) = vpow2.f32 v11;
	_ =	sdelay $0x2  }
0x32: {  	v25 =	vld [tilespmem:s20+$0x20];
	v12 =	vmul.f32 $1.428571410e+01, v24;
	_ =	sdelay $0x1  }
0x33: {  	v18 =	vld [tilespmem:s20+$0x30];
	v13 =	vand.u32 $0x7FFFFFFF, v24;
	v12 =	vsub.f32 v12, v3  }
0x34: {  	v17 =	vld [tilespmem:s20+$0x40];
	v13 =	vsub.f32 $0.0e+00, v13  }
0x35: {  	v49 =	vld [tilespmem:s20+$0x9D00];
	v12 =	vmul.f32 $1.442695020e+00, v12  }
0x36: {  	v22 =	vld [tilespmem:s20+$0x4E80];
	v42 =	vmul.f32 $1.428571410e+01, v25;
	v13 =	vmul.f32 $1.442695020e+00, v13;
	v11 =	vpop (erf)  }
0x37: {  	v56 =	vld [tilespmem:s20+$0x9D10];
	v43 =	vand.u32 $0x7FFFFFFF, v25;
	(erf) = vpow2.f32 v12;
	v19 =	vpop (erf)  }
0x38: {  	v57 =	vld [tilespmem:s20+$0x4E90];
	v12 =	vsub.f32 v42, v3;
	(erf) = vpow2.f32 v13;
	v9 =	vmul.f32 $5.253457930e-03, v19  }
0x39: {  	v34 =	vld [tilespmem:s20+$0x9D20];
	v44 =	vmul.f32 $1.428571410e+01, v18;
	v45 =	vand.u32 $0x7FFFFFFF, v18;
	v13 =	vsub.f32 $0.0e+00, v43  }
0x3a: {  	v15 =	vmul.f32 $1.428571410e+01, v17;
	v12 =	vmul.f32 $1.442695020e+00, v12;
	v9 =	vadd.f32 $-2.958850750e-02, v9  }
0x3b: {  	v35 =	vld [tilespmem:s20+$0x4EA0];
	v21 =	vand.u32 $0x7FFFFFFF, v17;
	vm0 =	vlt.s32 v49, $0xFFF;
	v13 =	vmul.f32 $1.442695020e+00, v13  }
0x3c: {  	v63 =	vld [tilespmem:s20+$0x9D30];
	(erf) = vpow2.f32 v12;
	v12 =	vsub.f32 v44, v3;
	v9 =	vmul.f32 v9, v19  }
0x3d: {  	v40 =	vld [tilespmem:s20+$0x4EB0];
	v54 =	vmul.f32 v22, v16;
	(erf) = vpow2.f32 v13;
	v13 =	vsub.f32 $0.0e+00, v45  }
0x3e: {  	v41 =	vld [tilespmem:s20+$0x4EC0];
	v16 =	vmax.f32 v16, $0.0e+00;
	v12 =	vmul.f32 $1.442695020e+00, v12;
	v9 =	vadd.f32 $7.836166760e-02, v9  }
0x3f: {  	vm15 =	vgt.f32 v22, $5.000000000e-01;
	vm4 =	vlt.s32 v56, $0xFFF;
	v13 =	vmul.f32 $1.442695020e+00, v13  }
0x40: {  	vm5 =	vgt.f32 v57, $5.000000000e-01;
	v14 =	vpop (erf);
	(erf) = vpow2.f32 v12;
	v9 =	vmul.f32 v9, v19  }
0x41: {  	vm6 =	vlt.s32 v34, $0xFFF;
	vm7 =	vgt.f32 v35, $5.000000000e-01;
	v26 =	vpop (erf);
	(erf) = vpow2.f32 v13  }
0x42: {  	vm8 =	vlt.s32 v63, $0xFFF;
	v20 =	vmul.f32 $5.253457930e-03, v26;
	v9 =	vadd.f32 $-1.367477030e-01, v9  }
0x43: {  	vm9 =	vgt.f32 v40, $5.000000000e-01;
	vm10 =	vgt.f32 v41, $5.000000000e-01;
	v46 =	vsub.f32 $0.0e+00, v21  }
0x44: {  	v15 =	vsub.f32 v15, v3;
	v20 =	vadd.f32 $-2.958850750e-02, v20;
	v9 =	vmul.f32 v9, v19  }
0x45: {  	v22 =	vsel vm5, $0x3F800000, v0;
	v16 =	vsub.f32 v16, v54;
	v12 =	vmul.f32 $1.442695020e+00, v46;
	v13 =	vpop (erf)  }
0x46: {  	v15 =	vmul.f32 $1.442695020e+00, v15;
	v27 =	vpop (erf);
	v20 =	vmul.f32 v20, v26;
	v9 =	vadd.f32 $1.911143060e-01, v9  }
0x47: {  	v44 =	vmul.f32 v35, v25;
	v25 =	vmax.f32 v25, $0.0e+00;
	v47 =	vmul.f32 $5.253457930e-03, v27  }
0x48: {  	v46 =	vld [tilespmem:s20+$0x9D40];
	(erf) = vpow2.f32 v15;
	v48 =	vadd.f32 $7.836166760e-02, v20;
	v9 =	vmul.f32 v9, v19  }
0x49: {  	v25 =	vsub.f32 v25, v44;
	(erf) = vpow2.f32 v12;
	v15 =	vadd.f32 $-2.958850750e-02, v47;
	v12 =	vpop (erf)  }
0x4a: {  	v44 =	vmul.f32 v41, v17;
	v50 =	vmul.f32 v48, v26;
	v31 =	vpop (erf);
	v9 =	vadd.f32 $-2.484436930e-01, v9  }
0x4b: {  	v17 =	vmax.f32 v17, $0.0e+00;
	v15 =	vmul.f32 v15, v27;
	v29 =	vmul.f32 $5.253457930e-03, v31  }
0x4c: {  	v17 =	vsub.f32 v17, v44;
	v21 =	vadd.f32 $-1.367477030e-01, v50;
	v9 =	vmul.f32 v9, v19  }
0x4d: {  	vm1 =	vlt.s32 v46, $0xFFF;
	v28 =	vadd.f32 $7.836166760e-02, v15;
	v53 =	vadd.f32 $-2.958850750e-02, v29  }
0x4e: {  	v20 =	vnsel vm15, $0x0, v11;
	v21 =	vmul.f32 v21, v26;
	v9 =	vadd.f32 $3.331927060e-01, v9  }
0x4f: {  	v54 =	vadd.f32 $0.0e+00, v20;
	v52 =	vmul.f32 v28, v27;
	v28 =	vmul.f32 v53, v31  }
0x50: {  	v15 =	vnsel vm0, $0xFFF, v49;
	v21 =	vadd.f32 $1.911143060e-01, v21;
	v9 =	vmul.f32 v9, v19  }
0x51: {  	v49 =	vmul.f32 v40, v18;
	v36 =	vcvt.s32.f32 v15;
	v28 =	vadd.f32 $7.836166760e-02, v28  }
0x52: {  	v43 =	vmovc v4;
	v50 =	vmax.f32 v18, $0.0e+00;
	v21 =	vmul.f32 v21, v26;
	v9 =	vadd.f32 $-4.999950230e-01, v9  }
0x53: {  	v18 =	vnsel vm1, $0xFFF, v46;
	vm3 =	vne.f32 v43, v36;
	v28 =	vmul.f32 v28, v31  }
0x54: {  	v40 =	vsub.f32 v50, v49;
	v53 =	vsel vm3, $0x0, v20;
	v21 =	vadd.f32 $-2.484436930e-01, v21  }
0x55: {  	v46 =	vsel vm3, $0x0, v1;
	v23 =	vmul.f32 v9, v19;
	v28 =	vadd.f32 $-1.367477030e-01, v28  }
0x56: {  	v8 =	vadd.f32 v53, v8;
	v6 =	vadd.f32 v46, v6;
	v21 =	vmul.f32 v21, v26;
	v9 =	vpop (erf)  }
0x57: {  	v51 =	vadd.f32 $1.000000000e+00, v23;
	v23 =	vadd.f32 $-1.367477030e-01, v52;
	v59 =	vmul.f32 v28, v31;
	v37 =	vpop (erf)  }
0x58: {  	v52 =	vadd.f32 $0.0e+00, v11;
	v21 =	vadd.f32 $3.331927060e-01, v21;
	v30 =	vmul.f32 $5.253457930e-03, v37  }
0x59: {  	v23 =	vmul.f32 v23, v27;
	v19 =	vmul.f32 v51, v19;
	v51 =	vsel vm3, $0x0, v11  }
0x5a: {  	v44 =	vadd.s32 $0x1000, v15;
	v33 =	vadd.f32 $1.911143060e-01, v59;
	v10 =	vadd.f32 v51, v10  }
0x5b: {  	v21 =	vmul.f32 v21, v26;
	v55 =	vadd.f32 $-2.958850750e-02, v30;
	v23 =	vadd.f32 $1.911143060e-01, v23  }
0x5c: {  	v16 =	vadd.f32 v19, v16;
	v19 =	vnsel vm4, $0xFFF, v56;
	v33 =	vmul.f32 v33, v31  }
0x5d: {  	v30 =	vmul.f32 v57, v24;
	v24 =	vmax.f32 v24, $0.0e+00;
	v38 =	vcvt.s32.f32 v19  }
0x5e: {  	v61 =	vadd.f32 $-4.999950230e-01, v21;
	v21 =	vnsel vm5, $0x0, v14;
	v29 =	vmul.f32 v55, v37  }
0x5f: {  	v58 =	vmul.f32 v23, v27;
	v23 =	vsel vm15, $0x3F800000, v0;
	v33 =	vadd.f32 $-2.484436930e-01, v33  }
0x60: {  	v30 =	vsub.f32 v24, v30;
	v24 =	vnsel vm6, $0xFFF, v34;
	v34 =	vnsel vm7, $0x0, v13  }
0x61: {  	v39 =	vcvt.s32.f32 v24;
	v55 =	vsel vm3, $0x0, v23;
	vm14 =	vne.f32 v43, v38  }
0x62: {  	v49 =	vadd.s32 $0x1000, v24;
	v29 =	vadd.f32 $7.836166760e-02, v29;
	v32 =	vadd.f32 $-2.484436930e-01, v58  }
0x63: {  	v62 =	vmul.f32 v33, v31;
	v33 =	vsel vm9, $0x3F800000, v0;
	v7 =	vadd.f32 v55, v7  }
0x64: {  	v58 =	vadd.f32 $0.0e+00, v16;
	v59 =	vsel vm14, $0x0, v14;
	v51 =	vsel vm14, $0x0, v1  }
0x65: {  	v10 =	vadd.f32 v59, v10;
	v29 =	vmul.f32 v29, v37;
	v60 =	vmul.f32 v32, v27  }
0x66: {  	v6 =	vadd.f32 v51, v6;
	vm5 =	vne.f32 v43, v39;
	v32 =	vmul.f32 v61, v26  }
0x67: {  	v55 =	vsel vm5, $0x0, v13;
	v29 =	vadd.f32 $-1.367477030e-01, v29;
	v28 =	vadd.f32 $3.331927060e-01, v60  }
0x68: {  	v59 =	vsel vm5, $0x0, v34;
	v10 =	vadd.f32 v55, v10;
	v32 =	vadd.f32 $1.000000000e+00, v32  }
0x69: {  	v60 =	vsel vm14, $0x0, v21;
	v29 =	vmul.f32 v29, v37;
	v28 =	vmul.f32 v28, v27  }
0x6a: {  	v8 =	vadd.f32 v60, v8;
	v26 =	vmul.f32 v32, v26;
	v32 =	vadd.f32 $3.331927060e-01, v62  }
0x6b: {  	v62 =	vsel vm14, $0x0, v22;
	v29 =	vadd.f32 $1.911143060e-01, v29;
	v28 =	vadd.f32 $-4.999950230e-01, v28  }
0x6c: {  	v60 =	vadd.s32 $0x2000, v19;
	v7 =	vadd.f32 v62, v7;
	v45 =	vmul.f32 v32, v31  }
0x6d: {  	v8 =	vadd.f32 v59, v8;
	v29 =	vmul.f32 v29, v37;
	v28 =	vmul.f32 v28, v27  }
0x6e: {  	v30 =	vadd.f32 v26, v30;
	v26 =	vnsel vm8, $0xFFF, v63;
	v35 =	vadd.f32 $-4.999950230e-01, v45  }
0x6f: {  	v42 =	vcvt.s32.f32 v26;
	v29 =	vadd.f32 $-2.484436930e-01, v29;
	v28 =	vadd.f32 $1.000000000e+00, v28  }
0x70: {  	v62 =	vadd.s32 $0x3000, v19;
	v48 =	vmul.f32 v35, v31;
	v35 =	vcvt.s32.f32 v18  }
0x71: {  	v32 =	vsel vm7, $0x3F800000, v0;
	v29 =	vmul.f32 v29, v37;
	v27 =	vmul.f32 v28, v27  }
0x72: {  	v59 =	vadd.s32 $0x1000, v26;
	v45 =	vadd.s32 $0x2000, v15;
	v4 =	vperm.xlane v35, v2  }
0x73: {  	v53 =	vsel vm14, $0x0, v30;
	v29 =	vadd.f32 $3.331927060e-01, v29;
	v28 =	vadd.f32 v27, v25  }
0x74: {  	v27 =	vadd.f32 $1.000000000e+00, v48;
	vm11 =	vlt.f32 v4, v43;
	vm2 =	vgt.f32 v4, v43  }
0x75: {  	vm12 =	vne.f32 v4, v36;
	vm4 =	vne.f32 v4, v38;
	vm8 =	vne.f32 v4, v39  }
0x76: {  	vm0 =	vmor vm2, vm11;
	vm13 =	vmand vm3, vm12;
	v41 =	vsel vm12, $0x0, v54  }
0x77: {  	v56 =	vsel vm12, $0x0, v23;
	v57 =	vsel vm12, $0x0, v1;
	v48 =	vsel vm4, $0x0, v14  }
0x78: {  	v61 =	vsel vm4, $0x0, v21;
	v63 =	vsel vm4, $0x0, v22;
	v38 =	vsel vm12, $0x0, v58  }
0x79: {  	vm15 =	vmand vm14, vm4;
	v54 =	vsel vm4, $0x0, v30;
	v50 =	vsel vm8, $0x0, v1  }
0x7a: {  	vm11 =	vne.f32 v4, v42;
	vm14 =	vne.f32 v4, v35;
	v47 =	vmul.f32 v29, v37  }
0x7b: {  	v29 =	vnsel vm9, $0x0, v12;
	v27 =	vmul.f32 v27, v31;
	v41 =	vadd.f32 v61, v41  }
0x7c: {  	v36 =	vadd.f32 v63, v56;
	v38 =	vadd.f32 v54, v38;
	v56 =	vadd.s32 $0x4000, v15  }
0x7d: {  	v61 =	vsel vm8, $0x0, v34;
	v63 =	vsel vm5, $0x0, v32;
	vm9 =	vmand vm5, vm8  }
0x7e: {  	v51 =	vsel vm5, $0x0, v28;
	v31 =	vadd.f32 v27, v40;
	v40 =	vsel vm12, $0x0, v52  }
0x7f: {  	v54 =	vadd.s32 $0x4000, v24;
	v40 =	vadd.f32 v48, v40;
	v48 =	vadd.s32 $0x3000, v15  }
0x80: {  	v7 =	vadd.f32 v63, v7;
	v63 =	vsel vm11, $0x0, v1;
	v25 =	vadd.f32 $-4.999950230e-01, v47  }
0x81: {  	v27 =	vnsel vm10, $0x0, v9;
	v47 =	vsel vm3, $0x0, v16;
	v52 =	vsel vm4, $0x0, v1;
	[tilespmem:v15+s14+$0x0] =	vst.idx.add.f32.msk vm13, v11  }
0x82: {  	v39 =	vadd.f32 v41, v61;
	v5 =	vadd.f32 v47, v5;
	v11 =	vadd.s32 $0x1000, v19;
	[tilespmem:v44+s14+$0x0] =	vst.idx.add.f32.msk vm13, v20  }
0x83: {  	v61 =	vsel vm11, $0x0, v33;
	v46 =	vadd.f32 v52, v57;
	v25 =	vmul.f32 v25, v37;
	[tilespmem:v45+s14+$0x0] =	vst.idx.add.f32.msk vm13, v23  }
0x84: {  	v57 =	vsel vm8, $0x0, v13;
	v52 =	vadd.s32 $0x3000, v24;
	v5 =	vadd.f32 v53, v5;
	[tilespmem:v48+s14+$0x0] =	vst.idx.add.f32.msk vm13, v1  }
0x85: {  	v58 =	vadd.f32 v40, v57;
	v25 =	vadd.f32 $1.000000000e+00, v25;
	v44 =	vadd.s32 $0x4000, v19;
	[tilespmem:v56+s14+$0x0] =	vst.idx.add.f32.msk vm13, v16  }
0x86: {  	v53 =	vsel vm8, $0x0, v28;
	v40 =	vadd.s32 $0x3000, v26;
	v45 =	vsel vm8, $0x0, v32;
	[tilespmem:v19+s14+$0x0] =	vst.idx.add.f32.msk vm15, v14  }
0x87: {  	v5 =	vadd.f32 v51, v5;
	v37 =	vmul.f32 v25, v37;
	v25 =	vsel vm10, $0x3F800000, v0;
	[tilespmem:v11+s14+$0x0] =	vst.idx.add.f32.msk vm15, v21  }
0x88: {  	v47 =	vadd.f32 v36, v45;
	v48 =	vsel vm5, $0x0, v1;
	v11 =	vadd.s32 $0x2000, v24;
	[tilespmem:v60+s14+$0x0] =	vst.idx.add.f32.msk vm15, v22  }
0x89: {  	vm10 =	vne.f32 v43, v42;
	v42 =	vsel vm11, $0x0, v31;
	v6 =	vadd.f32 v48, v6;
	[tilespmem:v62+s14+$0x0] =	vst.idx.add.f32.msk vm15, v1  }
0x8a: {  	v55 =	vsel vm10, $0x0, v12;
	v56 =	vsel vm11, $0x0, v12;
	vm12 =	vmand vm10, vm11;
	[tilespmem:v44+s14+$0x0] =	vst.idx.add.f32.msk vm15, v30  }
0x8b: {  	v57 =	vsel vm10, $0x0, v29;
	v41 =	vsel vm10, $0x0, v31;
	vm13 =	vne.f32 v43, v35;
	[tilespmem:v24+s14+$0x0] =	vst.idx.add.f32.msk vm9, v13  }
0x8c: {  	v48 =	vadd.s32 $0x2000, v18;
	v17 =	vadd.f32 v37, v17;
	v37 =	vtrunc.f32 v43;
	[tilespmem:v49+s14+$0x0] =	vst.idx.add.f32.msk vm9, v34  }
0x8d: {  	v19 =	vadd.f32 v46, v50;
	v10 =	vadd.f32 v55, v10;
	v62 =	vadd.s32 $0x2000, v26;
	[tilespmem:v11+s14+$0x0] =	vst.idx.add.f32.msk vm9, v32  }
0x8e: {  	v15 =	vadd.f32 v58, v56;
	v58 =	vsel vm11, $0x0, v29;
	v43 =	vadd.s32 $0x4000, v26;
	[tilespmem:v52+s14+$0x0] =	vst.idx.add.f32.msk vm9, v1  }
0x8f: {  	v8 =	vadd.f32 v57, v8;
	v46 =	vadd.f32 v47, v61;
	vm15 =	vmand vm13, vm14;
	[tilespmem:v54+s14+$0x0] =	vst.idx.add.f32.msk vm9, v28  }
0x90: {  	v47 =	vadd.s32 $0x1000, v18;
	v5 =	vadd.f32 v41, v5;
	v50 =	vadd.s32 $0x3000, v18;
	[tilespmem:v26+s14+$0x0] =	vst.idx.add.f32.msk vm12, v12  }
0x91: {  	v51 =	vsel vm13, $0x0, v9;
	v55 =	vsel vm13, $0x0, v25;
	v60 =	vsel vm10, $0x0, v33;
	[tilespmem:v59+s14+$0x0] =	vst.idx.add.f32.msk vm12, v29  }
0x92: {  	v57 =	vsel vm14, $0x0, v25;
	v61 =	vsel vm14, $0x0, v1;
	v7 =	vadd.f32 v60, v7;
	[tilespmem:v62+s14+$0x0] =	vst.idx.add.f32.msk vm12, v33  }
0x93: {  	v21 =	vadd.f32 v53, v38;
	v45 =	vadd.f32 v39, v58;
	v44 =	vcvt.f32.s32 v37;
	[tilespmem:v40+s14+$0x0] =	vst.idx.add.f32.msk vm12, v1  }
0x94: {  	v53 =	vadd.s32 $0x4000, v18;
	v10 =	vadd.f32 v51, v10;
	v7 =	vadd.f32 v55, v7;
	[tilespmem:v43+s14+$0x0] =	vst.idx.add.f32.msk vm12, v31  }
0x95: {  	v49 =	vadd.f32 v42, v21;
	v56 =	vadd.s32 $0x2000, v44;
	v11 =	vsel vm10, $0x0, v1;
	[tilespmem:v18+s14+$0x0] =	vst.idx.add.f32.msk vm15, v9  }
0x96: {  	v58 =	vadd.s32 $0x3000, v44;
	v6 =	vadd.f32 v11, v6;
	v54 =	vadd.s32 $0x1000, v44;
	[tilespmem:v47+s14+$0x0] =	vst.idx.add.f32.msk vm15, v27  }
0x97: {  	v11 =	vadd.f32 v19, v63;
	v52 =	vsel vm14, $0x0, v9;
	v63 =	vsel vm14, $0x0, v17;
	[tilespmem:v48+s14+$0x0] =	vst.idx.add.f32.msk vm15, v25  }
0x98: {  	v15 =	vadd.f32 v15, v52;
	v13 =	vadd.f32 v63, v49;
	v9 =	vsel vm13, $0x0, v27;
	[tilespmem:v50+s14+$0x0] =	vst.idx.add.f32.msk vm15, v1  }
0x99: {  	p0 =	sne.s32 s19, $0x13740;
	v60 =	vadd.s32 $0x4000, v44;
	v12 =	vadd.f32 v46, v57;
	v8 =	vadd.f32 v9, v8;
	[tilespmem:v53+s14+$0x0] =	vst.idx.add.f32.msk vm15, v17  }
.Ltmp1:
0x9a: {  	v11 =	vadd.f32 v11, v61;
	v59 =	vsel vm13, $0x0, v1;
	v9 =	vsel vm14, $0x0, v27;
	[tilespmem:v44+s14+$0x0] =	vst.idx.add.f32.msk vm0, v10;
	(pc) =	sbr.rel @p0 .LBB2_5-.Ltmp1, $4  }
0x9b: {  	v6 =	vadd.f32 v59, v6;
	v62 =	vsel vm13, $0x0, v17;
	v9 =	vadd.f32 v45, v9;
	[tilespmem:v54+s14+$0x0] =	vst.idx.add.f32.msk vm0, v8  }
0x9c: {  	v5 =	vadd.f32 v62, v5;
	v10 =	vsel vm0, v15, v10;
	[tilespmem:v56+s14+$0x0] =	vst.idx.add.f32.msk vm0, v7  }
0x9d: {  	v8 =	vsel vm0, v9, v8;
	v7 =	vsel vm0, v12, v7;
	[tilespmem:v58+s14+$0x0] =	vst.idx.add.f32.msk vm0, v6  }
0x9e: {  	s19 =	sadd.s32 $0x140, s19;
	v6 =	vsel vm0, v11, v6;
	[tilespmem:v60+s14+$0x0] =	vst.idx.add.f32.msk vm0, v5;
	v5 =	vsel vm0, v13, v5  }
0x9f: {  	s18 =	sadd.s32 $0x1, s18  }
0xa0: {  	p0 =	sne.s32 s18, $0x5  }
.Ltmp2:
0xa1: {  	_ = 	snop;
	(pc) =	sbr.rel @p0 .LBB2_4-.Ltmp2, $1  }
0xa2: {  	_ =	sdelay $0x3  }
0xa3: {  	v3 =	vtrunc.f32 v4  }
0xa4: {  	v3 =	vcvt.f32.s32 v3;
	_ =	sdelay $0x1  }
0xa5: {  	v63 =	vadd.s32 $0x1000, v3  }
0xa6: {  	v9 =	vadd.s32 $0x2000, v3  }
0xa7: {  	v11 =	vadd.s32 $0x3000, v3  }
0xa8: {  	v12 =	vadd.s32 $0x4000, v3  }
0xa9: {  	[tilespmem:v3+s14+$0x0] =	vst.idx.add.f32.msk $0xffff, v10  }
0xaa: {  	[tilespmem:v63+s14+$0x0] =	vst.idx.add.f32.msk $0xffff, v8  }
0xab: {  	s5 =	sadd.s32 $0x1, s5;
	[tilespmem:v9+s14+$0x0] =	vst.idx.add.f32.msk $0xffff, v7  }
0xac: {  	p0 =	sne.s32 s5, s9;
	[tilespmem:v11+s14+$0x0] =	vst.idx.add.f32.msk $0xffff, v6  }
.Ltmp3:
0xad: {  	[tilespmem:v12+s14+$0x0] =	vst.idx.add.f32.msk $0xffff, v5;
	(pc) =	sbr.rel @p0 .LBB2_1-.Ltmp3, $4  }
0xae: {  	[hbm4b:s8+s15] =	stream.strided.scatter [tilespmem:s14], [sflag:$0x1], $0x5000, s16, s15, $0x38;
	[tilespmem:$0x13C00] =	vst v63  }
0xaf: {  	_ =	swait.ge [sflag:s11], $0x5000  }
0xb0: {  	[sflag:s11] =	ssyncset.done $0x0  }
0xb1: {  	[sflag:s11] =	ssyncadd.s32 $0xFFFFB000  }
0xb2: {  	_ =	sfence.sel $0x180000  }
0xb3: {  	[bflag:$0x0] =	sbarrier.arrive $0xFFFF  }
0xb4: {  	p0 =	sne.s32 s0, $0x0;
	_ =	strace $0x90000047  }
0xb5: {  	s0 =	sadd.s32 @!p0 $0x100000, s3;
	[bflag:$0x2] =	sbarrier.arrive $0xFFFF  }
0xb6: {  	[sflag:s0] =	ssyncadd.tile.s32 @!p0 $0x1;
	_ =	shalt  }
.Lfunc_end2:
_tile_overlayer_lowered:
.L_overlay_start_2:
0xb7: {  	(tag) =	ssettag $0x2  }
0xb8: {  	s0 =	rddreg [dreg:$0x0];
	s2 =	stileid.u32  }
0xb9: {  	s1 =	rddreg [dreg:$0x1];
	p0 =	sne.s32 s2, $0x0  }
0xba: {  	s3 =	rddreg [dreg:$0x2];
	[bflag:$0x3] =	sbarrier.arrive $0xFFFF;
	s2 =	simm.s32 @!p0 $0x1C01  }
0xbb: {  	[timem:s3], [sflag:s2] =	dma.local @!p0 [hbm:s0], s1  }
0xbc: {  	s0 =	simm.s32 @!p0 $0x1  }
0xbd: {  	_ =	swait.ge @!p0 [sflag:s0], s1  }
0xbe: {  	s1 =	ssub.s32 @!p0 $0x0, s1;
	[sflag:s0] =	ssyncset.done @!p0 $0x0  }
0xbf: {  	[sflag:s0] =	ssyncadd.s32 @!p0 s1  }
0xc0: {  	[bflag:$0x3] =	sbarrier.arrive $0xFFFF  }
0xc1: {  	_ =	shalt  }

</sc_bundles>
